<compile_context>
chip_gen: v7x
topology: tpu7x:2x2x1
jax: 0.10.2.dev20260603
libtpu: 0.0.44.dev20260713+nightly
codegen_flags: <defaults>
</compile_context>

<pallas_src>
import functools

import jax
import jax.numpy as jnp
from jax import lax
from jax.experimental import pallas as pl
from jax.experimental.pallas import tpu as pltpu
from jax.experimental.pallas import tpu_sc as plsc

N_TOK = 8192
K_CODES = 8192
D = 256
COMMIT = 0.25

T_BLK = 2048
K_BLK = 512
N_T = N_TOK // T_BLK
N_K = K_CODES // K_BLK

SC_NC = 2
SC_NS = 16
SC_NW = SC_NC * SC_NS
B_PER_W = N_TOK // SC_NW
G_CHUNK = 128

E_BLK = 1024
N_E = N_TOK // E_BLK


def _rna_bf16(v):
    u = lax.bitcast_convert_type(v, jnp.uint32)
    bump = jnp.where((u & jnp.uint32(0xFFFF)) >= jnp.uint32(0x8000),
                     jnp.uint32(0x10000), jnp.uint32(0))
    return lax.bitcast_convert_type((u & jnp.uint32(0xFFFF0000)) + bump,
                                    jnp.float32)


def _argmin_body(x_ref, e_ref, idx_ref, run_min, run_idx):
    k = pl.program_id(1)
    x = x_ref[...]
    e = e_ref[...]
    x2 = jnp.sum(x * x, axis=1, keepdims=True)
    e2 = jnp.sum(e * e, axis=1, keepdims=True)
    lhs = (2.0 * x).astype(jnp.bfloat16)
    rhs = _rna_bf16(e).astype(jnp.bfloat16)
    m = lax.dot_general(lhs, rhs, (((1,), (1,)), ((), ())),
                        preferred_element_type=jnp.float32)
    d = (x2 + e2.reshape(1, K_BLK)) - m
    tile_min = jnp.min(d, axis=1, keepdims=True)
    iota = lax.broadcasted_iota(jnp.int32, d.shape, 1)
    tile_arg = jnp.min(jnp.where(d == tile_min, iota, jnp.int32(2**30)),
                       axis=1, keepdims=True)

    @pl.when(k == 0)
    def _():
        run_min[...] = tile_min
        run_idx[...] = tile_arg

    @pl.when(k > 0)
    def _():
        better = tile_min < run_min[...]
        run_idx[...] = jnp.where(better, tile_arg + k * K_BLK, run_idx[...])
        run_min[...] = jnp.where(better, tile_min, run_min[...])

    @pl.when(k == N_K - 1)
    def _():
        idx_ref[...] = run_idx[...]


def _encode(flat, emb):
    return pl.pallas_call(
        _argmin_body,
        grid=(N_T, N_K),
        in_specs=[
            pl.BlockSpec((T_BLK, D), lambda t, k: (t, 0)),
            pl.BlockSpec((K_BLK, D), lambda t, k: (k, 0)),
        ],
        out_specs=pl.BlockSpec((T_BLK, 1), lambda t, k: (t, 0)),
        out_shape=jax.ShapeDtypeStruct((N_TOK, 1), jnp.int32),
        scratch_shapes=[
            pltpu.VMEM((T_BLK, 1), jnp.float32),
            pltpu.VMEM((T_BLK, 1), jnp.int32),
        ],
    )(flat, emb)


N_CHUNK = B_PER_W // G_CHUNK
ZERO_SL = K_CODES // SC_NS


def _sc_body(emb_hbm, idx_hbm, quant_hbm, pcounts_hbm,
             idx_v, rows_v, zeros_v, ones_v, counts_sh, sem):
    core = lax.axis_index("c")
    sid = lax.axis_index("s")
    wid = sid * SC_NC + core
    base = wid * B_PER_W
    pltpu.sync_copy(idx_hbm.at[wid], idx_v)

    def _zero(i, c):
        zeros_v[pl.ds(i * 16, 16)] = jnp.zeros((16,), jnp.int32)
        return c
    lax.fori_loop(0, ZERO_SL // 16, _zero, 0)

    def _one(i, c):
        ones_v[pl.ds(i * 16, 16)] = jnp.ones((16,), jnp.int32)
        return c
    lax.fori_loop(0, G_CHUNK // 16, _one, 0)

    pltpu.sync_copy(zeros_v, counts_sh.at[pl.ds(sid * ZERO_SL, ZERO_SL)])
    plsc.subcore_barrier()

    for c in range(N_CHUNK):
        pltpu.sync_copy(ones_v, counts_sh.at[idx_v.at[c]], add=True)
        pltpu.async_copy(emb_hbm.at[idx_v.at[c]], rows_v, sem).wait()
        pltpu.sync_copy(rows_v, quant_hbm.at[pl.ds(base + c * G_CHUNK, G_CHUNK)])

    plsc.subcore_barrier()

    @pl.when(sid == 0)
    def _():
        pltpu.sync_copy(counts_sh, pcounts_hbm.at[core])


def _sc_gather_hist(emb, idx):
    mesh = plsc.VectorSubcoreMesh(core_axis_name="c", subcore_axis_name="s")
    fn = pl.kernel(
        _sc_body,
        mesh=mesh,
        out_type=[
            jax.ShapeDtypeStruct((N_TOK, D), jnp.float32),
            jax.ShapeDtypeStruct((SC_NC, K_CODES), jnp.int32),
        ],
        scratch_types=[
            pltpu.VMEM((N_CHUNK, G_CHUNK), jnp.int32),
            pltpu.VMEM((G_CHUNK, D), jnp.float32),
            pltpu.VMEM((ZERO_SL,), jnp.int32),
            pltpu.VMEM((G_CHUNK,), jnp.int32),
            pltpu.VMEM_SHARED((K_CODES,), jnp.int32),
            pltpu.SemaphoreType.DMA,
        ],
    )
    return fn(emb, idx.reshape(SC_NW, N_CHUNK, G_CHUNK))


def _epi_body(x_ref, q_ref, pc_ref, st_ref, loss_ref, perp_ref, acc):
    i = pl.program_id(0)
    x = x_ref[...]
    q = q_ref[...]
    delta = q - x
    st_ref[...] = x + delta
    s = jnp.sum(delta * delta)

    @pl.when(i == 0)
    def _():
        acc[0, 0] = s

    @pl.when(i > 0)
    def _():
        acc[0, 0] = acc[0, 0] + s

    @pl.when(i == N_E - 1)
    def _():
        mean_sq = acc[0, 0] / jnp.float32(N_TOK * D)
        loss_ref[0, 0] = (1.0 + COMMIT) * mean_sq
        counts = jnp.sum(pc_ref[...], axis=0)
        avg = counts.astype(jnp.float32) * jnp.float32(1.0 / N_TOK)
        ent = jnp.sum(avg * jnp.log(avg + 1e-10))
        perp_ref[0, 0] = jnp.exp(-ent)


def _epilogue(flat, quant, pcounts):
    return pl.pallas_call(
        _epi_body,
        grid=(N_E,),
        in_specs=[
            pl.BlockSpec((E_BLK, D), lambda i: (i, 0)),
            pl.BlockSpec((E_BLK, D), lambda i: (i, 0)),
            pl.BlockSpec((SC_NC, K_CODES), lambda i: (0, 0)),
        ],
        out_specs=[
            pl.BlockSpec((E_BLK, D), lambda i: (i, 0)),
            pl.BlockSpec(memory_space=pltpu.SMEM),
            pl.BlockSpec(memory_space=pltpu.SMEM),
        ],
        out_shape=[
            jax.ShapeDtypeStruct((N_TOK, D), jnp.float32),
            jax.ShapeDtypeStruct((1, 1), jnp.float32),
            jax.ShapeDtypeStruct((1, 1), jnp.float32),
        ],
        scratch_shapes=[pltpu.SMEM((1, 1), jnp.float32)],
    )(flat, quant, pcounts)


def kernel(inputs, embedding_weight):
    flat = inputs.reshape(-1, D)
    idx = _encode(flat, embedding_weight).reshape(-1)
    quant, pcounts = _sc_gather_hist(embedding_weight, idx)
    st, loss, perp = _epilogue(flat, quant, pcounts)
    return st.reshape(inputs.shape), loss[0, 0], perp[0, 0]

# --- scband reference (transcript-rebuilt; emitter-appended) ---
"""Pipeline reference for scband-vector-quantizer-9509057593386 (READ-ONLY COPY).

The authoritative reference and input builder live on the scoring server;
editing this copy changes nothing except your own understanding.
"""

import jax, jax.numpy as jnp
import numpy as np

K = 8192
D = 256
COMMITMENT_COST = 0.25


def setup_inputs(seed: int = 0) -> dict:
    key = jax.random.key(seed)
    k1, k2 = jax.random.split(key)
    inputs = jax.random.normal(k1, (8, 1024, D), dtype=jnp.float32)
    embedding_weight = jax.random.uniform(
        k2, (K, D), dtype=jnp.float32, minval=-1.0 / K, maxval=1.0 / K
    )
    return {"inputs": inputs, "embedding_weight": embedding_weight}


def reference(inputs, embedding_weight):
    d = embedding_weight.shape[1]
    flat_input = inputs.reshape(-1, d)
    # Squared L2 distances to every codebook entry: ||x||^2 + ||e||^2 - 2 x e^T
    distances = (
        jnp.sum(flat_input ** 2, axis=1, keepdims=True)
        + jnp.sum(embedding_weight ** 2, axis=1)
        - 2.0 * flat_input @ embedding_weight.T
    )
    encoding_indices = jnp.argmin(distances, axis=1)
    quantized = jnp.take(embedding_weight, encoding_indices, axis=0).reshape(inputs.shape)

    # VQ-VAE losses
    e_latent_loss = jnp.mean((jax.lax.stop_gradient(quantized) - inputs) ** 2)
    q_latent_loss = jnp.mean((quantized - jax.lax.stop_gradient(inputs)) ** 2)
    loss = q_latent_loss + COMMITMENT_COST * e_latent_loss

    # Straight-through estimator
    quantized_st = inputs + jax.lax.stop_gradient(quantized - inputs)

    # Perplexity (codebook usage), via bincount to avoid materializing a huge one-hot
    counts = jnp.bincount(encoding_indices, length=embedding_weight.shape[0])
    avg_probs = counts.astype(jnp.float32) / encoding_indices.shape[0]
    perplexity = jnp.exp(-jnp.sum(avg_probs * jnp.log(avg_probs + 1e-10)))

    return quantized_st, loss, perplexity

if __name__ == "__main__":
    import jax
    _d = setup_inputs()
    print(jax.jit(kernel)(*tuple(_d.values())))

</pallas_src>

<mosaic_0001>
#map = affine_map<(d0, d1) -> (0, 0)>
#map1 = affine_map<(d0, d1) -> (0, 0, 0)>
module attributes {stable_mosaic.version = 14 : i64} {
  func.func @_sc_body(%arg0: i32, %arg1: i32, %arg2: memref<8192x256xf32, #tpu.memory_space<hbm>>, %arg3: memref<32x2x128xi32, #tpu.memory_space<hbm>>, %arg4: memref<8192x256xf32, #tpu.memory_space<hbm>>, %arg5: memref<2x8192xi32, #tpu.memory_space<hbm>>, %arg6: memref<2x128xi32, #tpu.memory_space<vmem>>, %arg7: memref<128x256xf32, #tpu.memory_space<vmem>>, %arg8: memref<512xi32, #tpu.memory_space<vmem>>, %arg9: memref<128xi32, #tpu.memory_space<vmem>>, %arg10: memref<8192xi32, #tpu.memory_space<vmem_shared>>, %arg11: memref<!tpu.dma_semaphore, #tpu.memory_space<semaphore_mem>>) attributes {dimension_semantics = [#tpu.dimension_semantics<core_parallel>, #tpu.dimension_semantics<subcore_parallel>], iteration_bounds = array<i64: 2, 16>, scalar_prefetch = 0 : i64, scratch_operands = 6 : i64, tpu.core_type = #tpu.core_type<sc_vector_subcore>, window_params = [{transform_indices = #map}, {transform_indices = #map1}, {transform_indices = #map}, {transform_indices = #map}]} {
    %mul3A = arith.constant 2 : i32
    %mul3A_0 = arith.muli %arg1, %mul3A : i32
    %add3A = arith.addi %mul3A_0, %arg0 : i32
    %mul3A_1 = arith.constant 256 : i32
    %mul3A_2 = arith.muli %add3A, %mul3A_1 : i32
    "tpu.region"() ({
      %run_scoped3A_50 = tpu.sem_alloc : memref<!tpu.dma_semaphore, #tpu.memory_space<semaphore_mem>>
      %dma_start3A_51 = arith.constant 0 : i32
      %dma_start3A_52 = arith.constant 0 : i32
      %dma_start3A_53 = tpu.memref_slice %arg3[%add3A, %dma_start3A_51, %dma_start3A_52] : memref<32x2x128xi32, #tpu.memory_space<hbm>> -> memref<1x2x128xi32, #tpu.memory_space<hbm>>
      %dma_start3A_54 = tpu.memref_squeeze %dma_start3A_53 : memref<1x2x128xi32, #tpu.memory_space<hbm>> -> memref<2x128xi32, #tpu.memory_space<hbm>>
      %dma_start3A_55 = arith.constant 0 : i32
      %dma_start3A_56 = arith.constant 0 : i32
      %dma_start3A_57 = tpu.memref_slice %arg3[%add3A, %dma_start3A_55, %dma_start3A_56] : memref<32x2x128xi32, #tpu.memory_space<hbm>> -> memref<1x2x128xi32, #tpu.memory_space<hbm>>
      %dma_start3A_58 = tpu.memref_squeeze %dma_start3A_57 : memref<1x2x128xi32, #tpu.memory_space<hbm>> -> memref<2x128xi32, #tpu.memory_space<hbm>>
      tpu.enqueue_dma source(%dma_start3A_58 : memref<2x128xi32, #tpu.memory_space<hbm>>) target(%arg6 : memref<2x128xi32, #tpu.memory_space<vmem>>) target_semaphore(%run_scoped3A_50 : memref<!tpu.dma_semaphore, #tpu.memory_space<semaphore_mem>>)
      %dma_wait3A_59 = arith.constant 0 : i32
      %dma_wait3A_60 = arith.constant 0 : i32
      %dma_wait3A_61 = tpu.memref_slice %arg3[%add3A, %dma_wait3A_59, %dma_wait3A_60] : memref<32x2x128xi32, #tpu.memory_space<hbm>> -> memref<1x2x128xi32, #tpu.memory_space<hbm>>
      %dma_wait3A_62 = tpu.memref_squeeze %dma_wait3A_61 : memref<1x2x128xi32, #tpu.memory_space<hbm>> -> memref<2x128xi32, #tpu.memory_space<hbm>>
      %dma_wait3A_63 = arith.constant 0 : i32
      %dma_wait3A_64 = arith.constant 0 : i32
      %dma_wait3A_65 = tpu.memref_slice %arg3[%add3A, %dma_wait3A_63, %dma_wait3A_64] : memref<32x2x128xi32, #tpu.memory_space<hbm>> -> memref<1x2x128xi32, #tpu.memory_space<hbm>>
      %dma_wait3A_66 = tpu.memref_squeeze %dma_wait3A_65 : memref<1x2x128xi32, #tpu.memory_space<hbm>> -> memref<2x128xi32, #tpu.memory_space<hbm>>
      tpu.wait_dma2 semaphore(%run_scoped3A_50 : memref<!tpu.dma_semaphore, #tpu.memory_space<semaphore_mem>>) src(%dma_wait3A_66 : memref<2x128xi32, #tpu.memory_space<hbm>>) dst(%arg6 : memref<2x128xi32, #tpu.memory_space<vmem>>)
      tpu.yield
    }) : () -> ()
    %scan3A = arith.constant 0 : i32
    %scan3A_3 = arith.constant 0 : i32
    %scan3A_4 = arith.constant 32 : i32
    %scan3A_5 = arith.addi %scan3A_3, %scan3A_4 : i32
    %scan3A_6 = arith.constant 1 : i32
    scf.for %scan3A_50 = %scan3A_3 to %scan3A_5 step %scan3A_6  : i32 {
      %broadcast_in_dim3A = arith.constant 0 : i32
      %broadcast_in_dim3A_51 = vector.broadcast %broadcast_in_dim3A : i32 to vector<16xi32>
      %mul3A_52 = arith.constant 16 : i32
      %mul3A_53 = arith.muli %scan3A_50, %mul3A_52 : i32
      %swap3A = arith.index_cast %mul3A_53 : i32 to index
      %swap3A_54 = tpu.vector_load %arg8[%swap3A] {strides = array<i32>} : memref<512xi32, #tpu.memory_space<vmem>>, vector<16xi32>,
      %swap3A_55 = vector.shape_cast %swap3A_54 : vector<16xi32> to vector<16xi32>
      %swap3A_56 = vector.shape_cast %broadcast_in_dim3A_51 : vector<16xi32> to vector<16xi32>
      tpu.vector_store %arg8[%swap3A], %swap3A_56 {strides = array<i32>} : memref<512xi32, #tpu.memory_space<vmem>>, vector<16xi32>,
    }
    %scan3A_7 = arith.constant 32 : i32
    %scan3A_8 = arith.constant 0 : i32
    %scan3A_9 = arith.constant 0 : i32
    %scan3A_10 = arith.constant 8 : i32
    %scan3A_11 = arith.addi %scan3A_9, %scan3A_10 : i32
    %scan3A_12 = arith.constant 1 : i32
    scf.for %scan3A_50 = %scan3A_9 to %scan3A_11 step %scan3A_12  : i32 {
      %broadcast_in_dim3A = arith.constant 1 : i32
      %broadcast_in_dim3A_51 = vector.broadcast %broadcast_in_dim3A : i32 to vector<16xi32>
      %mul3A_52 = arith.constant 16 : i32
      %mul3A_53 = arith.muli %scan3A_50, %mul3A_52 : i32
      %swap3A = arith.index_cast %mul3A_53 : i32 to index
      %swap3A_54 = tpu.vector_load %arg9[%swap3A] {strides = array<i32>} : memref<128xi32, #tpu.memory_space<vmem>>, vector<16xi32>,
      %swap3A_55 = vector.shape_cast %swap3A_54 : vector<16xi32> to vector<16xi32>
      %swap3A_56 = vector.shape_cast %broadcast_in_dim3A_51 : vector<16xi32> to vector<16xi32>
      tpu.vector_store %arg9[%swap3A], %swap3A_56 {strides = array<i32>} : memref<128xi32, #tpu.memory_space<vmem>>, vector<16xi32>,
    }
    %scan3A_13 = arith.constant 8 : i32
    %mul3A_14 = arith.constant 512 : i32
    %mul3A_15 = arith.muli %arg1, %mul3A_14 : i32
    "tpu.region"() ({
      %run_scoped3A_50 = tpu.sem_alloc : memref<!tpu.dma_semaphore, #tpu.memory_space<semaphore_mem>>
      %dma_start3A_51 = tpu.memref_slice %arg10[%mul3A_15] : memref<8192xi32, #tpu.memory_space<vmem_shared>> -> memref<512xi32, #tpu.memory_space<vmem_shared>>
      %dma_start3A_52 = tpu.memref_slice %arg10[%mul3A_15] : memref<8192xi32, #tpu.memory_space<vmem_shared>> -> memref<512xi32, #tpu.memory_space<vmem_shared>>
      tpu.enqueue_dma source(%arg8 : memref<512xi32, #tpu.memory_space<vmem>>) target(%dma_start3A_52 : memref<512xi32, #tpu.memory_space<vmem_shared>>) target_semaphore(%run_scoped3A_50 : memref<!tpu.dma_semaphore, #tpu.memory_space<semaphore_mem>>)
      %dma_wait3A_53 = tpu.memref_slice %arg10[%mul3A_15] : memref<8192xi32, #tpu.memory_space<vmem_shared>> -> memref<512xi32, #tpu.memory_space<vmem_shared>>
      %dma_wait3A_54 = tpu.memref_slice %arg10[%mul3A_15] : memref<8192xi32, #tpu.memory_space<vmem_shared>> -> memref<512xi32, #tpu.memory_space<vmem_shared>>
      tpu.wait_dma2 semaphore(%run_scoped3A_50 : memref<!tpu.dma_semaphore, #tpu.memory_space<semaphore_mem>>) src(%arg8 : memref<512xi32, #tpu.memory_space<vmem>>) dst(%dma_wait3A_54 : memref<512xi32, #tpu.memory_space<vmem_shared>>)
      tpu.yield
    }) : () -> ()
    %barrier3A = arith.constant 0 : index
    tpu.barrier barrier_id(%barrier3A)
    %run_scoped3A = arith.constant 0 : i32
    "tpu.region"() ({
      %run_scoped3A_50 = tpu.sem_alloc : memref<!tpu.dma_semaphore, #tpu.memory_space<semaphore_mem>>
      %dma_start3A_51 = arith.constant 0 : i32
      %dma_start3A_52 = tpu.memref_slice %arg6[%run_scoped3A, %dma_start3A_51] : memref<2x128xi32, #tpu.memory_space<vmem>> -> memref<1x128xi32, #tpu.memory_space<vmem>>
      %dma_start3A_53 = tpu.memref_squeeze %dma_start3A_52 : memref<1x128xi32, #tpu.memory_space<vmem>> -> memref<128xi32, #tpu.memory_space<vmem>>
      %dma_start3A_54 = arith.constant 0 : i32
      %dma_start3A_55 = tpu.memref_slice %arg10[%dma_start3A_54] : memref<8192xi32, #tpu.memory_space<vmem_shared>> -> memref<8192xi32, #tpu.memory_space<vmem_shared>>
      tpu.enqueue_indirect_dma source(%arg9 : memref<128xi32, #tpu.memory_space<vmem>>) target(%dma_start3A_55 : memref<8192xi32, #tpu.memory_space<vmem_shared>>) offsets(%dma_start3A_53 : memref<128xi32, #tpu.memory_space<vmem>>) semaphore(%run_scoped3A_50 : memref<!tpu.dma_semaphore, #tpu.memory_space<semaphore_mem>>) {add = true}
      %dma_wait3A_56 = arith.constant 0 : i32
      %dma_wait3A_57 = tpu.memref_slice %arg6[%run_scoped3A, %dma_wait3A_56] : memref<2x128xi32, #tpu.memory_space<vmem>> -> memref<1x128xi32, #tpu.memory_space<vmem>>
      %dma_wait3A_58 = tpu.memref_squeeze %dma_wait3A_57 : memref<1x128xi32, #tpu.memory_space<vmem>> -> memref<128xi32, #tpu.memory_space<vmem>>
      %dma_wait3A_59 = arith.constant 0 : i32
      %dma_wait3A_60 = tpu.memref_slice %arg10[%dma_wait3A_59] : memref<8192xi32, #tpu.memory_space<vmem_shared>> -> memref<8192xi32, #tpu.memory_space<vmem_shared>>
      tpu.wait_indirect_dma semaphore(%run_scoped3A_50 : memref<!tpu.dma_semaphore, #tpu.memory_space<semaphore_mem>>) src(%arg9 : memref<128xi32, #tpu.memory_space<vmem>>) dst(%dma_wait3A_60 : memref<8192xi32, #tpu.memory_space<vmem_shared>>)
      tpu.yield
    }) : () -> ()
    %dma_start3A = arith.constant 0 : i32
    %dma_start3A_16 = arith.constant 0 : i32
    %dma_start3A_17 = tpu.memref_slice %arg6[%dma_start3A, %dma_start3A_16] : memref<2x128xi32, #tpu.memory_space<vmem>> -> memref<1x128xi32, #tpu.memory_space<vmem>>
    %dma_start3A_18 = tpu.memref_squeeze %dma_start3A_17 : memref<1x128xi32, #tpu.memory_space<vmem>> -> memref<128xi32, #tpu.memory_space<vmem>>
    %dma_start3A_19 = arith.constant 0 : i32
    %dma_start3A_20 = arith.constant 0 : i32
    %dma_start3A_21 = tpu.memref_slice %arg2[%dma_start3A_19, %dma_start3A_20] : memref<8192x256xf32, #tpu.memory_space<hbm>> -> memref<8192x256xf32, #tpu.memory_space<hbm>>
    tpu.enqueue_indirect_dma source(%dma_start3A_21 : memref<8192x256xf32, #tpu.memory_space<hbm>>) target(%arg7 : memref<128x256xf32, #tpu.memory_space<vmem>>) offsets(%dma_start3A_18 : memref<128xi32, #tpu.memory_space<vmem>>) semaphore(%arg11 : memref<!tpu.dma_semaphore, #tpu.memory_space<semaphore_mem>>)
    %dma_wait3A = arith.constant 0 : i32
    %dma_wait3A_22 = arith.constant 0 : i32
    %dma_wait3A_23 = tpu.memref_slice %arg6[%dma_wait3A, %dma_wait3A_22] : memref<2x128xi32, #tpu.memory_space<vmem>> -> memref<1x128xi32, #tpu.memory_space<vmem>>
    %dma_wait3A_24 = tpu.memref_squeeze %dma_wait3A_23 : memref<1x128xi32, #tpu.memory_space<vmem>> -> memref<128xi32, #tpu.memory_space<vmem>>
    %dma_wait3A_25 = arith.constant 0 : i32
    %dma_wait3A_26 = arith.constant 0 : i32
    %dma_wait3A_27 = tpu.memref_slice %arg2[%dma_wait3A_25, %dma_wait3A_26] : memref<8192x256xf32, #tpu.memory_space<hbm>> -> memref<8192x256xf32, #tpu.memory_space<hbm>>
    tpu.wait_indirect_dma semaphore(%arg11 : memref<!tpu.dma_semaphore, #tpu.memory_space<semaphore_mem>>) src(%dma_wait3A_27 : memref<8192x256xf32, #tpu.memory_space<hbm>>) dst(%arg7 : memref<128x256xf32, #tpu.memory_space<vmem>>)
    %add3A_28 = arith.constant 0 : i32
    %add3A_29 = arith.addi %mul3A_2, %add3A_28 : i32
    "tpu.region"() ({
      %run_scoped3A_50 = tpu.sem_alloc : memref<!tpu.dma_semaphore, #tpu.memory_space<semaphore_mem>>
      %dma_start3A_51 = arith.constant 0 : i32
      %dma_start3A_52 = tpu.memref_slice %arg4[%add3A_29, %dma_start3A_51] : memref<8192x256xf32, #tpu.memory_space<hbm>> -> memref<128x256xf32, #tpu.memory_space<hbm>>
      %dma_start3A_53 = arith.constant 0 : i32
      %dma_start3A_54 = tpu.memref_slice %arg4[%add3A_29, %dma_start3A_53] : memref<8192x256xf32, #tpu.memory_space<hbm>> -> memref<128x256xf32, #tpu.memory_space<hbm>>
      tpu.enqueue_dma source(%arg7 : memref<128x256xf32, #tpu.memory_space<vmem>>) target(%dma_start3A_54 : memref<128x256xf32, #tpu.memory_space<hbm>>) target_semaphore(%run_scoped3A_50 : memref<!tpu.dma_semaphore, #tpu.memory_space<semaphore_mem>>)
      %dma_wait3A_55 = arith.constant 0 : i32
      %dma_wait3A_56 = tpu.memref_slice %arg4[%add3A_29, %dma_wait3A_55] : memref<8192x256xf32, #tpu.memory_space<hbm>> -> memref<128x256xf32, #tpu.memory_space<hbm>>
      %dma_wait3A_57 = arith.constant 0 : i32
      %dma_wait3A_58 = tpu.memref_slice %arg4[%add3A_29, %dma_wait3A_57] : memref<8192x256xf32, #tpu.memory_space<hbm>> -> memref<128x256xf32, #tpu.memory_space<hbm>>
      tpu.wait_dma2 semaphore(%run_scoped3A_50 : memref<!tpu.dma_semaphore, #tpu.memory_space<semaphore_mem>>) src(%arg7 : memref<128x256xf32, #tpu.memory_space<vmem>>) dst(%dma_wait3A_58 : memref<128x256xf32, #tpu.memory_space<hbm>>)
      tpu.yield
    }) : () -> ()
    %run_scoped3A_30 = arith.constant 1 : i32
    "tpu.region"() ({
      %run_scoped3A_50 = tpu.sem_alloc : memref<!tpu.dma_semaphore, #tpu.memory_space<semaphore_mem>>
      %dma_start3A_51 = arith.constant 0 : i32
      %dma_start3A_52 = tpu.memref_slice %arg6[%run_scoped3A_30, %dma_start3A_51] : memref<2x128xi32, #tpu.memory_space<vmem>> -> memref<1x128xi32, #tpu.memory_space<vmem>>
      %dma_start3A_53 = tpu.memref_squeeze %dma_start3A_52 : memref<1x128xi32, #tpu.memory_space<vmem>> -> memref<128xi32, #tpu.memory_space<vmem>>
      %dma_start3A_54 = arith.constant 0 : i32
      %dma_start3A_55 = tpu.memref_slice %arg10[%dma_start3A_54] : memref<8192xi32, #tpu.memory_space<vmem_shared>> -> memref<8192xi32, #tpu.memory_space<vmem_shared>>
      tpu.enqueue_indirect_dma source(%arg9 : memref<128xi32, #tpu.memory_space<vmem>>) target(%dma_start3A_55 : memref<8192xi32, #tpu.memory_space<vmem_shared>>) offsets(%dma_start3A_53 : memref<128xi32, #tpu.memory_space<vmem>>) semaphore(%run_scoped3A_50 : memref<!tpu.dma_semaphore, #tpu.memory_space<semaphore_mem>>) {add = true}
      %dma_wait3A_56 = arith.constant 0 : i32
      %dma_wait3A_57 = tpu.memref_slice %arg6[%run_scoped3A_30, %dma_wait3A_56] : memref<2x128xi32, #tpu.memory_space<vmem>> -> memref<1x128xi32, #tpu.memory_space<vmem>>
      %dma_wait3A_58 = tpu.memref_squeeze %dma_wait3A_57 : memref<1x128xi32, #tpu.memory_space<vmem>> -> memref<128xi32, #tpu.memory_space<vmem>>
      %dma_wait3A_59 = arith.constant 0 : i32
      %dma_wait3A_60 = tpu.memref_slice %arg10[%dma_wait3A_59] : memref<8192xi32, #tpu.memory_space<vmem_shared>> -> memref<8192xi32, #tpu.memory_space<vmem_shared>>
      tpu.wait_indirect_dma semaphore(%run_scoped3A_50 : memref<!tpu.dma_semaphore, #tpu.memory_space<semaphore_mem>>) src(%arg9 : memref<128xi32, #tpu.memory_space<vmem>>) dst(%dma_wait3A_60 : memref<8192xi32, #tpu.memory_space<vmem_shared>>)
      tpu.yield
    }) : () -> ()
    %dma_start3A_31 = arith.constant 1 : i32
    %dma_start3A_32 = arith.constant 0 : i32
    %dma_start3A_33 = tpu.memref_slice %arg6[%dma_start3A_31, %dma_start3A_32] : memref<2x128xi32, #tpu.memory_space<vmem>> -> memref<1x128xi32, #tpu.memory_space<vmem>>
    %dma_start3A_34 = tpu.memref_squeeze %dma_start3A_33 : memref<1x128xi32, #tpu.memory_space<vmem>> -> memref<128xi32, #tpu.memory_space<vmem>>
    %dma_start3A_35 = arith.constant 0 : i32
    %dma_start3A_36 = arith.constant 0 : i32
    %dma_start3A_37 = tpu.memref_slice %arg2[%dma_start3A_35, %dma_start3A_36] : memref<8192x256xf32, #tpu.memory_space<hbm>> -> memref<8192x256xf32, #tpu.memory_space<hbm>>
    tpu.enqueue_indirect_dma source(%dma_start3A_37 : memref<8192x256xf32, #tpu.memory_space<hbm>>) target(%arg7 : memref<128x256xf32, #tpu.memory_space<vmem>>) offsets(%dma_start3A_34 : memref<128xi32, #tpu.memory_space<vmem>>) semaphore(%arg11 : memref<!tpu.dma_semaphore, #tpu.memory_space<semaphore_mem>>)
    %dma_wait3A_38 = arith.constant 1 : i32
    %dma_wait3A_39 = arith.constant 0 : i32
    %dma_wait3A_40 = tpu.memref_slice %arg6[%dma_wait3A_38, %dma_wait3A_39] : memref<2x128xi32, #tpu.memory_space<vmem>> -> memref<1x128xi32, #tpu.memory_space<vmem>>
    %dma_wait3A_41 = tpu.memref_squeeze %dma_wait3A_40 : memref<1x128xi32, #tpu.memory_space<vmem>> -> memref<128xi32, #tpu.memory_space<vmem>>
    %dma_wait3A_42 = arith.constant 0 : i32
    %dma_wait3A_43 = arith.constant 0 : i32
    %dma_wait3A_44 = tpu.memref_slice %arg2[%dma_wait3A_42, %dma_wait3A_43] : memref<8192x256xf32, #tpu.memory_space<hbm>> -> memref<8192x256xf32, #tpu.memory_space<hbm>>
    tpu.wait_indirect_dma semaphore(%arg11 : memref<!tpu.dma_semaphore, #tpu.memory_space<semaphore_mem>>) src(%dma_wait3A_44 : memref<8192x256xf32, #tpu.memory_space<hbm>>) dst(%arg7 : memref<128x256xf32, #tpu.memory_space<vmem>>)
    %add3A_45 = arith.constant 128 : i32
    %add3A_46 = arith.addi %mul3A_2, %add3A_45 : i32
    "tpu.region"() ({
      %run_scoped3A_50 = tpu.sem_alloc : memref<!tpu.dma_semaphore, #tpu.memory_space<semaphore_mem>>
      %dma_start3A_51 = arith.constant 0 : i32
      %dma_start3A_52 = tpu.memref_slice %arg4[%add3A_46, %dma_start3A_51] : memref<8192x256xf32, #tpu.memory_space<hbm>> -> memref<128x256xf32, #tpu.memory_space<hbm>>
      %dma_start3A_53 = arith.constant 0 : i32
      %dma_start3A_54 = tpu.memref_slice %arg4[%add3A_46, %dma_start3A_53] : memref<8192x256xf32, #tpu.memory_space<hbm>> -> memref<128x256xf32, #tpu.memory_space<hbm>>
      tpu.enqueue_dma source(%arg7 : memref<128x256xf32, #tpu.memory_space<vmem>>) target(%dma_start3A_54 : memref<128x256xf32, #tpu.memory_space<hbm>>) target_semaphore(%run_scoped3A_50 : memref<!tpu.dma_semaphore, #tpu.memory_space<semaphore_mem>>)
      %dma_wait3A_55 = arith.constant 0 : i32
      %dma_wait3A_56 = tpu.memref_slice %arg4[%add3A_46, %dma_wait3A_55] : memref<8192x256xf32, #tpu.memory_space<hbm>> -> memref<128x256xf32, #tpu.memory_space<hbm>>
      %dma_wait3A_57 = arith.constant 0 : i32
      %dma_wait3A_58 = tpu.memref_slice %arg4[%add3A_46, %dma_wait3A_57] : memref<8192x256xf32, #tpu.memory_space<hbm>> -> memref<128x256xf32, #tpu.memory_space<hbm>>
      tpu.wait_dma2 semaphore(%run_scoped3A_50 : memref<!tpu.dma_semaphore, #tpu.memory_space<semaphore_mem>>) src(%arg7 : memref<128x256xf32, #tpu.memory_space<vmem>>) dst(%dma_wait3A_58 : memref<128x256xf32, #tpu.memory_space<hbm>>)
      tpu.yield
    }) : () -> ()
    %barrier3A_47 = arith.constant 0 : index
    tpu.barrier barrier_id(%barrier3A_47)
    %eq3A = arith.constant 0 : i32
    %eq3A_48 = arith.cmpi eq, %arg1, %eq3A : i32
    %convert_element_type3A = arith.extui %eq3A_48 : i1 to i32
    %cond3A = arith.constant 0 : i32
    %cond3A_49 = arith.cmpi ne, %convert_element_type3A, %cond3A : i32
    scf.if %cond3A_49 {
      "tpu.region"() ({
        %run_scoped3A_50 = tpu.sem_alloc : memref<!tpu.dma_semaphore, #tpu.memory_space<semaphore_mem>>
        %dma_start3A_51 = arith.constant 0 : i32
        %dma_start3A_52 = tpu.memref_slice %arg5[%arg0, %dma_start3A_51] : memref<2x8192xi32, #tpu.memory_space<hbm>> -> memref<1x8192xi32, #tpu.memory_space<hbm>>
        %dma_start3A_53 = tpu.memref_squeeze %dma_start3A_52 : memref<1x8192xi32, #tpu.memory_space<hbm>> -> memref<8192xi32, #tpu.memory_space<hbm>>
        tpu.enqueue_dma source(%arg10 : memref<8192xi32, #tpu.memory_space<vmem_shared>>) target(%dma_start3A_53 : memref<8192xi32, #tpu.memory_space<hbm>>) target_semaphore(%run_scoped3A_50 : memref<!tpu.dma_semaphore, #tpu.memory_space<semaphore_mem>>)
        %dma_wait3A_54 = arith.constant 0 : i32
        %dma_wait3A_55 = tpu.memref_slice %arg5[%arg0, %dma_wait3A_54] : memref<2x8192xi32, #tpu.memory_space<hbm>> -> memref<1x8192xi32, #tpu.memory_space<hbm>>
        %dma_wait3A_56 = tpu.memref_squeeze %dma_wait3A_55 : memref<1x8192xi32, #tpu.memory_space<hbm>> -> memref<8192xi32, #tpu.memory_space<hbm>>
        tpu.wait_dma2 semaphore(%run_scoped3A_50 : memref<!tpu.dma_semaphore, #tpu.memory_space<semaphore_mem>>) src(%arg10 : memref<8192xi32, #tpu.memory_space<vmem_shared>>) dst(%dma_wait3A_56 : memref<8192xi32, #tpu.memory_space<hbm>>)
        tpu.yield
      }) : () -> ()
    } else {
    }
    return
  }
}

module attributes {stable_mosaic.version = 14 : i64} {
  func.func @_epi_body(%arg0: i32, %arg1: memref<1024x256xf32, #tpu.memory_space<vmem>>, %arg2: memref<1024x256xf32, #tpu.memory_space<vmem>>, %arg3: memref<2x8192xi32, #tpu.memory_space<vmem>>, %arg4: memref<1024x256xf32, #tpu.memory_space<vmem>>, %arg5: memref<1x1xf32, #tpu.memory_space<smem>>, %arg6: memref<1x1xf32, #tpu.memory_space<smem>>, %arg7: memref<1x1xf32, #tpu.memory_space<smem>>) attributes {dimension_semantics = [#tpu.dimension_semantics<arbitrary>], iteration_bounds = array<i64: 8>, scalar_prefetch = 0 : i64, scratch_operands = 1 : i64, tpu.core_type = #tpu.core_type<tc>, window_params = [{transform_indices = @transform_0, window_bounds = array<i64: 1024, 256>}, {transform_indices = @transform_1, window_bounds = array<i64: 1024, 256>}, {pipeline_mode = #tpu.pipeline_mode<synchronous>, transform_indices = @transform_2, window_bounds = array<i64: 2, 8192>}, {transform_indices = @transform_3, window_bounds = array<i64: 1024, 256>}, {transform_indices = @transform_4, window_bounds = array<i64: 1, 1>}, {transform_indices = @transform_5, window_bounds = array<i64: 1, 1>}]} {
    %get3A = arith.constant 0 : index
    %get3A_0 = arith.constant 0 : index
    %get3A_1 = vector.load %arg1[%get3A, %get3A_0] : memref<1024x256xf32, #tpu.memory_space<vmem>>, vector<1024x256xf32>
    %get3A_2 = arith.constant 0 : index
    %get3A_3 = arith.constant 0 : index
    %get3A_4 = vector.load %arg2[%get3A_2, %get3A_3] : memref<1024x256xf32, #tpu.memory_space<vmem>>, vector<1024x256xf32>
    %sub3A = arith.subf %get3A_4, %get3A_1 : vector<1024x256xf32>
    %add3A = arith.addf %get3A_1, %sub3A : vector<1024x256xf32>
    %swap3A = arith.constant 0 : index
    %swap3A_5 = arith.constant 0 : index
    %swap3A_6 = vector.load %arg4[%swap3A, %swap3A_5] : memref<1024x256xf32, #tpu.memory_space<vmem>>, vector<1024x256xf32>
    tpu.vector_store %arg4[%swap3A, %swap3A_5], %add3A {strides = array<i32>} : memref<1024x256xf32, #tpu.memory_space<vmem>>, vector<1024x256xf32>,
    %mul3A = arith.mulf %sub3A, %sub3A : vector<1024x256xf32>
    %reduce_sum3A = vector.shape_cast %mul3A : vector<1024x256xf32> to vector<1x1024x256xf32>
    %reduce_sum3A_7 = arith.constant dense<0.000000e+00> : vector<1xf32>
    %reduce_sum3A_8 = vector.multi_reduction <add>, %reduce_sum3A, %reduce_sum3A_7 [1, 2] : vector<1x1024x256xf32> to vector<1xf32>
    %reduce_sum3A_9 = vector.shape_cast %reduce_sum3A_8 : vector<1xf32> to vector<1x1x1xf32>
    %reduce_sum3A_10 = vector.extract %reduce_sum3A_9[0, 0, 0] : f32 from vector<1x1x1xf32>
    %eq3A = arith.constant 0 : i32
    %eq3A_11 = arith.cmpi eq, %arg0, %eq3A : i32
    %convert_element_type3A = arith.extui %eq3A_11 : i1 to i32
    %cond3A = arith.constant 0 : i32
    %cond3A_12 = arith.cmpi ne, %convert_element_type3A, %cond3A : i32
    scf.if %cond3A_12 {
      %swap3A_22 = arith.constant 0 : index
      %swap3A_23 = arith.constant 0 : index
      %swap3A_24 = memref.load %arg7[%swap3A_22, %swap3A_23] : memref<1x1xf32, #tpu.memory_space<smem>>
      memref.store %reduce_sum3A_10, %arg7[%swap3A_22, %swap3A_23] : memref<1x1xf32, #tpu.memory_space<smem>>
    } else {
    }
    %gt3A = arith.constant 0 : i32
    %gt3A_13 = arith.cmpi sgt, %arg0, %gt3A : i32
    %convert_element_type3A_14 = arith.extui %gt3A_13 : i1 to i32
    %cond3A_15 = arith.constant 0 : i32
    %cond3A_16 = arith.cmpi ne, %convert_element_type3A_14, %cond3A_15 : i32
    scf.if %cond3A_16 {
      %get3A_22 = arith.constant 0 : index
      %get3A_23 = arith.constant 0 : index
      %get3A_24 = memref.load %arg7[%get3A_22, %get3A_23] : memref<1x1xf32, #tpu.memory_space<smem>>
      %add3A_25 = arith.addf %get3A_24, %reduce_sum3A_10 : f32
      %swap3A_26 = arith.constant 0 : index
      %swap3A_27 = arith.constant 0 : index
      %swap3A_28 = memref.load %arg7[%swap3A_26, %swap3A_27] : memref<1x1xf32, #tpu.memory_space<smem>>
      memref.store %add3A_25, %arg7[%swap3A_26, %swap3A_27] : memref<1x1xf32, #tpu.memory_space<smem>>
    } else {
    }
    %eq3A_17 = arith.constant 7 : i32
    %eq3A_18 = arith.cmpi eq, %arg0, %eq3A_17 : i32
    %convert_element_type3A_19 = arith.extui %eq3A_18 : i1 to i32
    %cond3A_20 = arith.constant 0 : i32
    %cond3A_21 = arith.cmpi ne, %convert_element_type3A_19, %cond3A_20 : i32
    scf.if %cond3A_21 {
      %get3A_22 = arith.constant 0 : index
      %get3A_23 = arith.constant 0 : index
      %get3A_24 = memref.load %arg7[%get3A_22, %get3A_23] : memref<1x1xf32, #tpu.memory_space<smem>>
      %div3A = arith.constant 0x4A000000 : f32
      %div3A_25 = arith.divf %get3A_24, %div3A : f32
      %mul3A_26 = arith.constant 1.250000e+00 : f32
      %mul3A_27 = arith.mulf %mul3A_26, %div3A_25 : f32
      %swap3A_28 = arith.constant 0 : index
      %swap3A_29 = arith.constant 0 : index
      %swap3A_30 = memref.load %arg5[%swap3A_28, %swap3A_29] : memref<1x1xf32, #tpu.memory_space<smem>>
      memref.store %mul3A_27, %arg5[%swap3A_28, %swap3A_29] : memref<1x1xf32, #tpu.memory_space<smem>>
      %get3A_31 = arith.constant 0 : index
      %get3A_32 = arith.constant 0 : index
      %get3A_33 = vector.load %arg3[%get3A_31, %get3A_32] : memref<2x8192xi32, #tpu.memory_space<vmem>>, vector<2x8192xi32>
      %reduce_sum3A_34 = arith.constant dense<0> : vector<8192xi32>
      %reduce_sum3A_35 = vector.multi_reduction <add>, %get3A_33, %reduce_sum3A_34 [0] : vector<2x8192xi32> to vector<8192xi32>
      %convert_element_type3A_36 = arith.sitofp %reduce_sum3A_35 : vector<8192xi32> to vector<8192xf32>
      %mul3A_37 = arith.constant 1.22070313E-4 : f32
      %mul3A_38 = vector.broadcast %mul3A_37 : f32 to vector<8192xf32>
      %mul3A_39 = arith.mulf %convert_element_type3A_36, %mul3A_38 : vector<8192xf32>
      %add3A_40 = arith.constant 1.000000e-10 : f32
      %add3A_41 = vector.broadcast %add3A_40 : f32 to vector<8192xf32>
      %add3A_42 = arith.addf %mul3A_39, %add3A_41 : vector<8192xf32>
      %log3A = math.log %add3A_42 : vector<8192xf32>
      %mul3A_43 = arith.mulf %mul3A_39, %log3A : vector<8192xf32>
      %reduce_sum3A_44 = vector.shape_cast %mul3A_43 : vector<8192xf32> to vector<1x8192xf32>
      %reduce_sum3A_45 = arith.constant dense<0.000000e+00> : vector<1xf32>
      %reduce_sum3A_46 = vector.multi_reduction <add>, %reduce_sum3A_44, %reduce_sum3A_45 [1] : vector<1x8192xf32> to vector<1xf32>
      %reduce_sum3A_47 = vector.shape_cast %reduce_sum3A_46 : vector<1xf32> to vector<1x1xf32>
      %reduce_sum3A_48 = vector.extract %reduce_sum3A_47[0, 0] : f32 from vector<1x1xf32>
      %neg3A = arith.constant 0.000000e+00 : f32
      %neg3A_49 = arith.subf %neg3A, %reduce_sum3A_48 : f32
      %exp3A = math.exp %neg3A_49 : f32
      %swap3A_50 = arith.constant 0 : index
      %swap3A_51 = arith.constant 0 : index
      %swap3A_52 = memref.load %arg6[%swap3A_50, %swap3A_51] : memref<1x1xf32, #tpu.memory_space<smem>>
      memref.store %exp3A, %arg6[%swap3A_50, %swap3A_51] : memref<1x1xf32, #tpu.memory_space<smem>>
    } else {
    }
    return
  }
  func.func @transform_0(%arg0: i32) -> (i32, i32) {
    %c0_i32 = arith.constant 0 : i32
    %c0_i32_0 = arith.constant 0 : i32
    return %arg0, %c0_i32 : i32, i32
  }
  func.func @transform_1(%arg0: i32) -> (i32, i32) {
    %c0_i32 = arith.constant 0 : i32
    %c0_i32_0 = arith.constant 0 : i32
    return %arg0, %c0_i32 : i32, i32
  }
  func.func @transform_2(%arg0: i32) -> (i32, i32) {
    %c0_i32 = arith.constant 0 : i32
    %c0_i32_0 = arith.constant 0 : i32
    %c0_i32_1 = arith.constant 0 : i32
    return %c0_i32, %c0_i32_0 : i32, i32
  }
  func.func @transform_3(%arg0: i32) -> (i32, i32) {
    %c0_i32 = arith.constant 0 : i32
    %c0_i32_0 = arith.constant 0 : i32
    return %arg0, %c0_i32 : i32, i32
  }
  func.func @transform_4(%arg0: i32) -> (i32, i32) {
    %c0_i32 = arith.constant 0 : i32
    %c0_i32_0 = arith.constant 0 : i32
    %c0_i32_1 = arith.constant 0 : i32
    return %c0_i32, %c0_i32_0 : i32, i32
  }
  func.func @transform_5(%arg0: i32) -> (i32, i32) {
    %c0_i32 = arith.constant 0 : i32
    %c0_i32_0 = arith.constant 0 : i32
    %c0_i32_1 = arith.constant 0 : i32
    return %c0_i32, %c0_i32_0 : i32, i32
  }
}

module attributes {stable_mosaic.version = 14 : i64} {
  func.func @_argmin_body(%arg0: i32, %arg1: i32, %arg2: memref<2048x256xf32, #tpu.memory_space<vmem>>, %arg3: memref<512x256xf32, #tpu.memory_space<vmem>>, %arg4: memref<2048x1xi32, #tpu.memory_space<vmem>>, %arg5: memref<2048x1xf32, #tpu.memory_space<vmem>>, %arg6: memref<2048x1xi32, #tpu.memory_space<vmem>>) attributes {dimension_semantics = [#tpu.dimension_semantics<arbitrary>, #tpu.dimension_semantics<arbitrary>], iteration_bounds = array<i64: 4, 16>, scalar_prefetch = 0 : i64, scratch_operands = 2 : i64, tpu.core_type = #tpu.core_type<tc>, window_params = [{transform_indices = @transform_0, window_bounds = array<i64: 2048, 256>}, {transform_indices = @transform_1, window_bounds = array<i64: 512, 256>}, {transform_indices = @transform_2, window_bounds = array<i64: 2048, 1>}]} {
    %get3A = arith.constant 0 : index
    %get3A_0 = arith.constant 0 : index
    %get3A_1 = vector.load %arg2[%get3A, %get3A_0] : memref<2048x256xf32, #tpu.memory_space<vmem>>, vector<2048x256xf32>
    %get3A_2 = arith.constant 0 : index
    %get3A_3 = arith.constant 0 : index
    %get3A_4 = vector.load %arg3[%get3A_2, %get3A_3] : memref<512x256xf32, #tpu.memory_space<vmem>>, vector<512x256xf32>
    %mul3A = arith.mulf %get3A_1, %get3A_1 : vector<2048x256xf32>
    %reduce_sum3A = arith.constant dense<0.000000e+00> : vector<2048xf32>
    %reduce_sum3A_5 = vector.multi_reduction <add>, %mul3A, %reduce_sum3A [1] : vector<2048x256xf32> to vector<2048xf32>
    %broadcast_in_dim3A = vector.shape_cast %reduce_sum3A_5 : vector<2048xf32> to vector<2048x1xf32>
    %mul3A_6 = arith.mulf %get3A_4, %get3A_4 : vector<512x256xf32>
    %reduce_sum3A_7 = arith.constant dense<0.000000e+00> : vector<512xf32>
    %reduce_sum3A_8 = vector.multi_reduction <add>, %mul3A_6, %reduce_sum3A_7 [1] : vector<512x256xf32> to vector<512xf32>
    %broadcast_in_dim3A_9 = vector.shape_cast %reduce_sum3A_8 : vector<512xf32> to vector<512x1xf32>
    %mul3A_10 = arith.constant 2.000000e+00 : f32
    %mul3A_11 = vector.broadcast %mul3A_10 : f32 to vector<2048x256xf32>
    %mul3A_12 = arith.mulf %mul3A_11, %get3A_1 : vector<2048x256xf32>
    %convert_element_type3A = arith.truncf %mul3A_12 : vector<2048x256xf32> to vector<2048x256xbf16>
    %bitcast_convert_type3A = tpu.bitcast %get3A_4 : vector<512x256xf32> -> vector<512x256xi32>
    %and3A = arith.constant 65535 : i32
    %and3A_13 = vector.broadcast %and3A : i32 to vector<512x256xi32>
    %and3A_14 = arith.andi %bitcast_convert_type3A, %and3A_13 : vector<512x256xi32>
    %ge3A = arith.constant 32768 : i32
    %ge3A_15 = vector.broadcast %ge3A : i32 to vector<512x256xi32>
    %ge3A_16 = arith.cmpi uge, %and3A_14, %ge3A_15 : vector<512x256xi32>
    %jit3A = arith.constant 65536 : i32
    %jit3A_17 = arith.constant 0 : i32
    %broadcast_in_dim3A_18 = vector.broadcast %jit3A : i32 to vector<512x256xi32>
    %broadcast_in_dim3A_19 = vector.broadcast %jit3A_17 : i32 to vector<512x256xi32>
    %select_n3A = arith.select %ge3A_16, %broadcast_in_dim3A_18, %broadcast_in_dim3A_19 : vector<512x256xi1>, vector<512x256xi32>
    %and3A_20 = arith.constant -65536 : i32
    %and3A_21 = vector.broadcast %and3A_20 : i32 to vector<512x256xi32>
    %and3A_22 = arith.andi %bitcast_convert_type3A, %and3A_21 : vector<512x256xi32>
    %add3A = arith.addi %and3A_22, %select_n3A : vector<512x256xi32>
    %bitcast_convert_type3A_23 = tpu.bitcast %add3A : vector<512x256xi32> -> vector<512x256xf32>
    %convert_element_type3A_24 = arith.truncf %bitcast_convert_type3A_23 : vector<512x256xf32> to vector<512x256xbf16>
    %dot_general3A = arith.constant dense<0.000000e+00> : vector<2048x512xf32>
    %dot_general3A_25 = tpu.matmul %convert_element_type3A, %convert_element_type3A_24, %dot_general3A {dimension_numbers = #tpu.dot_dimension_numbers<[1], [1], [0], [0], [0, 0, 1, 0], [], []>, transpose_lhs_hint = false} : vector<2048x256xbf16>, vector<512x256xbf16>, vector<2048x512xf32> -> vector<2048x512xf32>
    %reshape3A = vector.shape_cast %broadcast_in_dim3A_9 : vector<512x1xf32> to vector<1x512xf32>
    %add3A_26 = vector.broadcast %broadcast_in_dim3A : vector<2048x1xf32> to vector<2048x512xf32>
    %add3A_27 = vector.broadcast %reshape3A : vector<1x512xf32> to vector<2048x512xf32>
    %add3A_28 = arith.addf %add3A_26, %add3A_27 : vector<2048x512xf32>
    %sub3A = arith.subf %add3A_28, %dot_general3A_25 : vector<2048x512xf32>
    %reduce_min3A = arith.constant dense<0x7F800000> : vector<2048xf32>
    %reduce_min3A_29 = vector.multi_reduction <minimumf>, %sub3A, %reduce_min3A [1] : vector<2048x512xf32> to vector<2048xf32>
    %broadcast_in_dim3A_30 = vector.shape_cast %reduce_min3A_29 : vector<2048xf32> to vector<2048x1xf32>
    %iota3A = tpu.iota {dimensions = array<i32: 1>} : vector<2048x512xi32>
    %eq3A = vector.broadcast %broadcast_in_dim3A_30 : vector<2048x1xf32> to vector<2048x512xf32>
    %eq3A_31 = arith.cmpf oeq, %sub3A, %eq3A : vector<2048x512xf32>
    %jit3A_32 = arith.constant 1073741824 : i32
    %broadcast_in_dim3A_33 = vector.broadcast %jit3A_32 : i32 to vector<2048x512xi32>
    %select_n3A_34 = arith.select %eq3A_31, %iota3A, %broadcast_in_dim3A_33 : vector<2048x512xi1>, vector<2048x512xi32>
    %reduce_min3A_35 = arith.constant dense<2147483647> : vector<2048xi32>
    %reduce_min3A_36 = vector.multi_reduction <minsi>, %select_n3A_34, %reduce_min3A_35 [1] : vector<2048x512xi32> to vector<2048xi32>
    %broadcast_in_dim3A_37 = vector.shape_cast %reduce_min3A_36 : vector<2048xi32> to vector<2048x1xi32>
    %eq3A_38 = arith.constant 0 : i32
    %eq3A_39 = arith.cmpi eq, %arg1, %eq3A_38 : i32
    %convert_element_type3A_40 = arith.extui %eq3A_39 : i1 to i32
    %cond3A = arith.constant 0 : i32
    %cond3A_41 = arith.cmpi ne, %convert_element_type3A_40, %cond3A : i32
    scf.if %cond3A_41 {
      %swap3A = arith.constant 0 : index
      %swap3A_51 = arith.constant 0 : index
      %swap3A_52 = vector.load %arg5[%swap3A, %swap3A_51] : memref<2048x1xf32, #tpu.memory_space<vmem>>, vector<2048x1xf32>
      tpu.vector_store %arg5[%swap3A, %swap3A_51], %broadcast_in_dim3A_30 {strides = array<i32>} : memref<2048x1xf32, #tpu.memory_space<vmem>>, vector<2048x1xf32>,
      %swap3A_53 = arith.constant 0 : index
      %swap3A_54 = arith.constant 0 : index
      %swap3A_55 = vector.load %arg6[%swap3A_53, %swap3A_54] : memref<2048x1xi32, #tpu.memory_space<vmem>>, vector<2048x1xi32>
      tpu.vector_store %arg6[%swap3A_53, %swap3A_54], %broadcast_in_dim3A_37 {strides = array<i32>} : memref<2048x1xi32, #tpu.memory_space<vmem>>, vector<2048x1xi32>,
    } else {
    }
    %gt3A = arith.constant 0 : i32
    %gt3A_42 = arith.cmpi sgt, %arg1, %gt3A : i32
    %convert_element_type3A_43 = arith.extui %gt3A_42 : i1 to i32
    %cond3A_44 = arith.constant 0 : i32
    %cond3A_45 = arith.cmpi ne, %convert_element_type3A_43, %cond3A_44 : i32
    scf.if %cond3A_45 {
      %get3A_51 = arith.constant 0 : index
      %get3A_52 = arith.constant 0 : index
      %get3A_53 = vector.load %arg5[%get3A_51, %get3A_52] : memref<2048x1xf32, #tpu.memory_space<vmem>>, vector<2048x1xf32>
      %lt3A = arith.cmpf olt, %broadcast_in_dim3A_30, %get3A_53 : vector<2048x1xf32>
      %mul3A_54 = arith.constant 512 : i32
      %mul3A_55 = arith.muli %arg1, %mul3A_54 : i32
      %add3A_56 = vector.broadcast %mul3A_55 : i32 to vector<2048x1xi32>
      %add3A_57 = arith.addi %broadcast_in_dim3A_37, %add3A_56 : vector<2048x1xi32>
      %get3A_58 = arith.constant 0 : index
      %get3A_59 = arith.constant 0 : index
      %get3A_60 = vector.load %arg6[%get3A_58, %get3A_59] : memref<2048x1xi32, #tpu.memory_space<vmem>>, vector<2048x1xi32>
      %select_n3A_61 = arith.select %lt3A, %add3A_57, %get3A_60 : vector<2048x1xi1>, vector<2048x1xi32>
      %swap3A = arith.constant 0 : index
      %swap3A_62 = arith.constant 0 : index
      %swap3A_63 = vector.load %arg6[%swap3A, %swap3A_62] : memref<2048x1xi32, #tpu.memory_space<vmem>>, vector<2048x1xi32>
      tpu.vector_store %arg6[%swap3A, %swap3A_62], %select_n3A_61 {strides = array<i32>} : memref<2048x1xi32, #tpu.memory_space<vmem>>, vector<2048x1xi32>,
      %get3A_64 = arith.constant 0 : index
      %get3A_65 = arith.constant 0 : index
      %get3A_66 = vector.load %arg5[%get3A_64, %get3A_65] : memref<2048x1xf32, #tpu.memory_space<vmem>>, vector<2048x1xf32>
      %select_n3A_67 = arith.select %lt3A, %broadcast_in_dim3A_30, %get3A_66 : vector<2048x1xi1>, vector<2048x1xf32>
      %swap3A_68 = arith.constant 0 : index
      %swap3A_69 = arith.constant 0 : index
      %swap3A_70 = vector.load %arg5[%swap3A_68, %swap3A_69] : memref<2048x1xf32, #tpu.memory_space<vmem>>, vector<2048x1xf32>
      tpu.vector_store %arg5[%swap3A_68, %swap3A_69], %select_n3A_67 {strides = array<i32>} : memref<2048x1xf32, #tpu.memory_space<vmem>>, vector<2048x1xf32>,
    } else {
    }
    %eq3A_46 = arith.constant 15 : i32
    %eq3A_47 = arith.cmpi eq, %arg1, %eq3A_46 : i32
    %convert_element_type3A_48 = arith.extui %eq3A_47 : i1 to i32
    %cond3A_49 = arith.constant 0 : i32
    %cond3A_50 = arith.cmpi ne, %convert_element_type3A_48, %cond3A_49 : i32
    scf.if %cond3A_50 {
      %get3A_51 = arith.constant 0 : index
      %get3A_52 = arith.constant 0 : index
      %get3A_53 = vector.load %arg6[%get3A_51, %get3A_52] : memref<2048x1xi32, #tpu.memory_space<vmem>>, vector<2048x1xi32>
      %swap3A = arith.constant 0 : index
      %swap3A_54 = arith.constant 0 : index
      %swap3A_55 = vector.load %arg4[%swap3A, %swap3A_54] : memref<2048x1xi32, #tpu.memory_space<vmem>>, vector<2048x1xi32>
      tpu.vector_store %arg4[%swap3A, %swap3A_54], %get3A_53 {strides = array<i32>} : memref<2048x1xi32, #tpu.memory_space<vmem>>, vector<2048x1xi32>,
    } else {
    }
    return
  }
  func.func @transform_0(%arg0: i32, %arg1: i32) -> (i32, i32) {
    %c0_i32 = arith.constant 0 : i32
    %c0_i32_0 = arith.constant 0 : i32
    return %arg0, %c0_i32 : i32, i32
  }
  func.func @transform_1(%arg0: i32, %arg1: i32) -> (i32, i32) {
    %c0_i32 = arith.constant 0 : i32
    %c0_i32_0 = arith.constant 0 : i32
    return %arg1, %c0_i32 : i32, i32
  }
  func.func @transform_2(%arg0: i32, %arg1: i32) -> (i32, i32) {
    %c0_i32 = arith.constant 0 : i32
    %c0_i32_0 = arith.constant 0 : i32
    return %arg0, %c0_i32 : i32, i32
  }
}

</mosaic_0001>

<sc_bundles>
// kernel: kernel.5.cloned.1.call-start
scs
__scs_entry_jumppad:
0x0: {  	(pc) =	sbr.rel $0x88, $3  }
0x1: {  	(tag) =	ssettag $0x0;
	lr =	simm.s32 $0x1  }
0x2: {  	[smem:$0x3F9F] =	sst lr;
	_ =	strace $0xD0000000  }
0x3: {  	_ = 	snop  }
0x4: {  	_ = 	snop  }
0x5: {  	_ = 	snop  }
0x6: {  	_ = 	snop  }
0x7: {  	_ = 	snop  }
__scs_overlays_trampoline_lowered:
0x8: {  	[smem:$0x3FAE] =	sst s0  }
0x9: {  	[smem:$0x3FAF] =	sst s1  }
0xa: {  	[smem:$0x3FB0] =	sst s2  }
0xb: {  	[smem:$0x3FB1] =	sst s3  }
0xc: {  	[smem:$0x3FB2] =	sst s4  }
0xd: {  	[smem:$0x3FB3] =	sst s5  }
0xe: {  	[smem:$0x3FB4] =	sst s6  }
0xf: {  	[smem:$0x3FB5] =	sst s7  }
0x10: {  	[smem:$0x3FB6] =	sst s8  }
0x11: {  	[smem:$0x3FB7] =	sst s9;
	s0 =	simm.s32 @!p0 $0x0  }
0x12: {  	s1 =	sld [smem:$0x3F9D];
	s0 =	simm.s32 @p0 $0x1  }
0x13: {  	[smem:$0x3FB8] =	sst s0;
	s0 =	simm.s32 @!p1 $0x0  }
0x14: {  	s2 =	sld [smem:$0x3F9C];
	s0 =	simm.s32 @p1 $0x1  }
0x15: {  	[smem:$0x3FB9] =	sst s0;
	s0 =	simm.s32 @!p2 $0x0  }
0x16: {  	s3 =	sld [smem:$0x3FDB];
	s0 =	simm.s32 @p2 $0x1  }
0x17: {  	s4 =	simm.s32 $0x1BF5;
	[smem:$0x3FBB] =	sst s0  }
0x18: {  	s0 =	sld [smem:$0x3F9E];
	_ =	swait.ge [sflag:s4], $0x0  }
0x19: {  	s7 =	sld [smem:$0x3F9F]  }
0x1a: {  	s8 =	sadd.s32 $0xFFFFE003, lr  }
0x1b: {  	s9 =	sadd.s32 $0xFFFFFEF7, lr;
	s5 =	simm.s32 $0xFFFFFFFF;
	p2 =	slt.u32 s8, $0xFFFFF086  }
0x1c: {  	p1 =	slt.u32 s9, $0xF7A;
	s5 =	simm.s32 @!p2 $0x0  }
0x1d: {  	s5 =	simm.s32 @p1 $0x1;
	p0 =	seq.s32 s7, s2  }
0x1e: {  	s7 =	smul.u32 @!p0 $0xF7A, s2;
	p2 =	seq.s32 @!p0 s5, $0x0  }
0x1f: {  	s9 =	smul.u32 $0xF7A, s1;
	s8 =	simm.s32 @!p0 $0x1BF5;
	p2 =	por !p2, p0  }
0x20: {  	[sflag:s8] =	ssyncset.s32 @!p0 $0xFFFFF086;
	s6 =	sadd.s32 @!p0 s3, s7;
	s7 =	simm.s32 @!p0 $0x108  }
0x21: {  	s3 =	sadd.s32 s3, s9;
	s6 =	sadd.s32 @!p0 $0x88, s6;
	s7 =	simm.s32 @p2 $0x1082  }
0x22: {  	[simem:s7], [sflag:s8] =	dma.local @!p0 [hbm:s6], $0xF7A  }
0x23: {  	s9 =	sor.u32 $0xD0000000, s2;
	s6 =	simm.s32 $0x108;
	_ =	swait.ge @!p0 [sflag:s8], $0x0  }
0x24: {  	s3 =	sadd.s32 $0x88, s3;
	s6 =	simm.s32 @!p1 $0x1082;
	[sflag:s4] =	ssyncset.s32 $0xFFFFF086  }
0x25: {  	[simem:s6], [sflag:s4] =	dma.local [hbm:s3], $0xF7A  }
0x26: {  	[smem:$0x3F9F] =	sst s1;
	(tag) =	ssettag s2;
	_ =	strace s9  }
0x27: {  	s1 =	sld [smem:$0x3FAF]  }
0x28: {  	s2 =	sld [smem:$0x3FB0]  }
0x29: {  	s4 =	sld [smem:$0x3FB2]  }
0x2a: {  	p0 =	seq.s32 s5, $0x0;
	s5 =	sld [smem:$0x3FB3]  }
0x2b: {  	s6 =	sld [smem:$0x3FB4]  }
0x2c: {  	s7 =	sld [smem:$0x3FB5]  }
0x2d: {  	s3 =	simm.s32 $0x108;
	s8 =	sld [smem:$0x3FB6]  }
0x2e: {  	s3 =	simm.s32 @!p0 $0x1082;
	s9 =	sld [smem:$0x3FB7]  }
0x2f: {  	lr =	sadd.s32 s0, s3;
	s0 =	sld [smem:$0x3FAE]  }
0x30: {  	s3 =	sld [smem:$0x3FB1]  }
0x31: {  	[smem:$0x3FBA] =	sst s10  }
0x32: {  	s10 =	sld [smem:$0x3FB8];
	_ =	sdelay $0x3  }
0x33: {  	p0 =	seq.s32 s10, $0x1;
	s10 =	sld [smem:$0x3FBA];
	_ =	sdelay $0x3  }
0x34: {  	[smem:$0x3FBA] =	sst s10  }
0x35: {  	s10 =	sld [smem:$0x3FB9];
	_ =	sdelay $0x3  }
0x36: {  	p1 =	seq.s32 s10, $0x1;
	s10 =	sld [smem:$0x3FBA];
	_ =	sdelay $0x3  }
0x37: {  	[smem:$0x3FBA] =	sst s10  }
0x38: {  	s10 =	sld [smem:$0x3FBB]  }
0x39: {  	_ = 	snop;
	(pc) =	sbr.ind lr, $3  }
0x3a: {  	_ = 	snop  }
0x3b: {  	_ = 	snop  }
0x3c: {  	p2 =	seq.s32 s10, $0x1;
	s10 =	sld [smem:$0x3FBA]  }
0x3d: {  	_ =	shalt  }
0x3e: {  	_ =	shalt  }
0x3f: {  	_ =	shalt  }
0x40: {  	_ =	shalt  }
0x41: {  	_ =	shalt  }
0x42: {  	_ =	shalt  }
0x43: {  	_ =	shalt  }
0x44: {  	_ =	shalt  }
0x45: {  	_ =	shalt  }
0x46: {  	_ =	shalt  }
0x47: {  	_ =	shalt  }
0x48: {  	_ =	shalt  }
0x49: {  	_ =	shalt  }
0x4a: {  	_ =	shalt  }
0x4b: {  	_ =	shalt  }
0x4c: {  	_ =	shalt  }
0x4d: {  	_ =	shalt  }
0x4e: {  	_ =	shalt  }
0x4f: {  	_ =	shalt  }
0x50: {  	_ =	shalt  }
0x51: {  	_ =	shalt  }
0x52: {  	_ =	shalt  }
0x53: {  	_ =	shalt  }
0x54: {  	_ =	shalt  }
0x55: {  	_ =	shalt  }
0x56: {  	_ =	shalt  }
0x57: {  	_ =	shalt  }
0x58: {  	_ =	shalt  }
0x59: {  	_ =	shalt  }
0x5a: {  	_ =	shalt  }
0x5b: {  	_ =	shalt  }
0x5c: {  	_ =	shalt  }
0x5d: {  	_ =	shalt  }
0x5e: {  	_ =	shalt  }
0x5f: {  	_ =	shalt  }
0x60: {  	_ =	shalt  }
0x61: {  	_ =	shalt  }
0x62: {  	_ =	shalt  }
0x63: {  	_ =	shalt  }
0x64: {  	_ =	shalt  }
0x65: {  	_ =	shalt  }
0x66: {  	_ =	shalt  }
0x67: {  	_ =	shalt  }
0x68: {  	_ =	shalt  }
0x69: {  	_ =	shalt  }
0x6a: {  	_ =	shalt  }
0x6b: {  	_ =	shalt  }
0x6c: {  	_ =	shalt  }
0x6d: {  	_ =	shalt  }
0x6e: {  	_ =	shalt  }
0x6f: {  	_ =	shalt  }
0x70: {  	_ =	shalt  }
0x71: {  	_ =	shalt  }
0x72: {  	_ =	shalt  }
0x73: {  	_ =	shalt  }
0x74: {  	_ =	shalt  }
0x75: {  	_ =	shalt  }
0x76: {  	_ =	shalt  }
0x77: {  	_ =	shalt  }
0x78: {  	_ =	shalt  }
0x79: {  	_ =	shalt  }
0x7a: {  	_ =	shalt  }
0x7b: {  	_ =	shalt  }
0x7c: {  	_ =	shalt  }
0x7d: {  	_ =	shalt  }
0x7e: {  	_ =	shalt  }
0x7f: {  	_ =	shalt  }
0x80: {  	_ =	shalt  }
0x81: {  	_ =	shalt  }
0x82: {  	_ =	shalt  }
0x83: {  	_ =	shalt  }
0x84: {  	_ =	shalt  }
0x85: {  	_ =	shalt  }
0x86: {  	_ =	shalt  }
0x87: {  	_ =	shalt  }
.Lfunc_end0:
.L_simem_size_0:
called_computation_lowered:
.L_overlay_start_0:
0x88: {  	s2 =	sld [smem:$0x3FD9]  }
0x89: {  	s3 =	sld [smem:$0x3FFE];
	_ =	sdelay $0x1  }
0x8a: {  	s1 =	srdreg.scid  }
0x8b: {  	s0 =	sand.u32 $0x1, s1  }
0x8c: {  	s14 =	sshll.u32 s0, $0xA;
	s2 =	sadd.s32 s3, s2  }
0x8d: {  	s2 =	sadd.s32 s2, s14  }
0x8e: {  	[smem:$0x3FC6] =	sst s2  }
0x8f: {  	_ = 	snop  }
0x90: {  	s2 =	sld [smem:$0x3FD0];
	_ =	sdelay $0x2  }
0x91: {  	s4 =	simm.s32 $0xA;
	s5 =	simm.s32 $0x10;
	s15 =	sld [smem:$0x3FC8]  }
0x92: {  	[smem:s5], [sflag:s4] =	dma.local [hbm:s2], $0x1  }
0x93: {  	_ =	swait.eq [sflag:s4], $0x1  }
0x94: {  	[sflag:s4] =	ssyncset.done $0x0  }
0x95: {  	[sflag:s4] =	ssyncadd.s32 $0xFFFFFFFF  }
0x96: {  	s16 =	sld [smem:$0x10];
	(tm) =	ssettm $0x1  }
0x97: {  	s17 =	sld [smem:$0x3FFB];
	_ =	sdelay $0x3  }
0x98: {  	_ =	strace s17  }
0x99: {  	s4 =	sld [smem:$0x3FFC];
	_ =	sdelay $0x3  }
0x9a: {  	_ =	strace s4  }
0x9b: {  	s4 =	sld [smem:$0x3FFD];
	_ =	sdelay $0x3  }
0x9c: {  	_ =	strace s4  }
0x9d: {  	_ =	strace $0x8FFFFFFF  }
0x9e: {  	s18 =	sld [smem:$0x3FDB];
	_ =	sdelay $0x1  }
0x9f: {  	s19 =	simm.s32 $_scs_section_size  }
0xa0: {  	s6 =	simm.s32 $_size__tile_overlayer_lowered;
	s7 =	simm.s32 $_tile_overlayer_lowered  }
0xa1: {  	s22 =	simm.s32 $0x1BFF;
	s21 =	sshll.u32 s7, $0x1;
	s4 =	sadd.s32 s19, s18  }
0xa2: {  	s8 =	simm.s32 $0x0;
	s20 =	sshll.u32 s6, $0x1;
	s6 =	sadd.s32 s21, s4  }
0xa3: {  	[timem:s8], [sflag:s22] =	dma.local [hbm:s6], s20  }
0xa4: {  	_ =	swait.ge [sflag:s22], s20  }
0xa5: {  	s5 =	ssub.s32 $0x0, s20;
	[sflag:s22] =	ssyncset.done $0x0  }
0xa6: {  	[sflag:s22] =	ssyncadd.s32 s5;
	_ =	sdelay $0x1  }
0xa7: {  	s23 =	simm.s32 $0x1B8B  }
0xa8: {  	_ =	swait.ge [sflag:s23], $0x1  }
0xa9: {  	[sflag:s23] =	ssyncset.done $0x0  }
0xaa: {  	s25 =	simm.s32 $0x1B8E;
	s24 =	sld [smem:$0x3FFE];
	[sflag:s23] =	ssyncadd.s32 $0xFFFFFFFF  }
0xab: {  	s26 =	simm.s32 $execute0_lowered;
	[smem:$0x3FD2] =	sst s25  }
0xac: {  	s6 =	sshll.u32 s26, $0x1;
	_ =	strace $0x80000046;
	[dreg:$0x1] =	wrdreg $0xFFFFFFFF  }
0xad: {  	s28 =	simm.s32 $_size_execute0_lowered;
	s4 =	sadd.s32 s4, s6;
	[dreg:$0x0] =	wrdreg $0x0  }
0xae: {  	s6 =	sshll.u32 s28, $0x1;
	[dreg:$0x2] =	wrdreg s4  }
0xaf: {  	[dreg:$0x3] =	wrdreg s6  }
0xb0: {  	[dreg:$0x4] =	wrdreg $0xC0  }
0xb1: {  	_ =	task [dreg:s8], $0x5FFFF  }
0xb2: {  	[dreg:$0x1] =	wrdreg $0xFFFFFFFF  }
0xb3: {  	[dreg:$0x0] =	wrdreg $0x60  }
0xb4: {  	[dreg:$0x2] =	wrdreg s15  }
0xb5: {  	[dreg:$0x3] =	wrdreg s24  }
0xb6: {  	[dreg:$0x4] =	wrdreg s16  }
0xb7: {  	[dreg:$0x5] =	wrdreg $0x83800  }
0xb8: {  	[dreg:$0x6] =	wrdreg $0x9  }
0xb9: {  	_ =	task.clear_ibuf [dreg:s8], $0x7FFFF;
	_ =	strace $0x90000046  }
0xba: {  	s29 =	simm.s32 $0x9;
	_ =	strace $0x80000048  }
0xbb: {  	_ =	swait.ge [sflag:s29], $0x1  }
0xbc: {  	[sflag:s29] =	ssyncadd.s32 $0xFFFFFFFF  }
0xbd: {  	_ =	strace $0x90000048  }
0xbe: {  	_ =	sfence  }
0xbf: {  	s30 =	sld [smem:$0x0];
	_ =	sdelay $0x2  }
0xc0: {  	s31 =	sshll.u32 s1, $0xD;
	s1 =	sshrl.u32 s1, $0x2  }
0xc1: {  	s3 =	sand.u32 $0x4000, s31;
	s1 =	sadd.s32 s1, s30  }
0xc2: {  	s0 =	sor.u32 s3, s0;
	s1 =	sshll.u32 s1, $0x11  }
0xc3: {  	s0 =	sor.u32 s1, s0  }
0xc4: {  	s0 =	sadd.s32 $0x8F2B, s0  }
0xc5: {  	[sflag:s0] =	ssyncadd.remote.s32 $0x1  }
0xc6: {  	_ =	sfence.sel $0xFFFF  }
0xc7: {  	[dreg:$0x0] =	wrdreg $0xFFFFFFFF;
	(pc) =	sbr.abs _section_cstart, $3  }
0xc8: {  	[dreg:$0x1] =	wrdreg $0xFFFFFFFF  }
0xc9: {  	_ =	task.clear_ibuf [dreg:s8], $0x2FFFF;
	_ =	strace $0x9FFFFFFF  }
0xca: {  	(tm) =	ssettm $0x7FFFFFFF  }
0xcb: {  	_ =	shalt  }
tec
execute0_lowered:
.L_overlay_start_1:
0x0: {  	(tag) =	ssettag $0x1  }
0x1: {  	s0 =	rddreg [dreg:$0x0]  }
0x2: {  	s4 =	rddreg [dreg:$0x1]  }
0x3: {  	s1 =	srdreg.scid;
	s5 =	rddreg [dreg:$0x2]  }
0x4: {  	s6 =	stileid.u32;
	s2 =	rddreg [dreg:$0x3]  }
0x5: {  	s3 =	simm.s32 $0x0;
	s31 =	simm.s32 $0x8100;
	s12 =	simm.s32 $0x1900  }
0x6: {  	s13 =	simm.s32 $0x2100;
	s14 =	simm.s32 $0x2900;
	s15 =	simm.s32 $0x3100  }
0x7: {  	s16 =	simm.s32 $0x3900;
	s17 =	simm.s32 $0x4100;
	s18 =	simm.s32 $0x4900  }
0x8: {  	s19 =	simm.s32 $0x5100;
	s20 =	simm.s32 $0x5900;
	s21 =	simm.s32 $0x6100  }
0x9: {  	s22 =	simm.s32 $0x6900;
	s23 =	simm.s32 $0x7100;
	s24 =	simm.s32 $0x7900  }
0xa: {  	s7 =	sand.u32 $0x1, s1;
	s8 =	sshll.u32 s6, $0x9;
	[smem:$0x7FF] =	sst s3  }
0xb: {  	p0 =	sne.s32 s6, $0x0;
	s6 =	simm.s32 $0x2;
	s9 =	sshll.u32 s7, $0x8  }
0xc: {  	_ =	strace $0x80000047;
	s11 =	sshll.u32 s7, $0x4;
	s26 =	ssub.s32 $0x2, s7  }
0xd: {  	[dreg:$0x9] =	wrdreg s31;
	s7 =	simm.s32 $0x80;
	s9 =	sor.u32 s9, s8  }
0xe: {  	s11 =	sadd.s32 s11, s4;
	s8 =	sadd.s32 s8, s2;
	s29 =	sshrl.u32 s26, $0x1  }
0xf: {  	s10 =	sshrl.u32 s9, $0x3;
	s9 =	sshll.u32 s9, $0x5;
	[dreg:$0x6] =	wrdreg s8  }
0x10: {  	s30 =	sadd.s32 $0x1A00, s11;
	s8 =	simm.s32 $0x8300;
	s11 =	simm.s32 $0x1100  }
0x11: {  	s10 =	sadd.s32 s10, s4;
	s4 =	sadd.s32 s5, s9;
	s5 =	ssub.s32 s26, s29  }
0x12: {  	v0 =	vimm.s32 $0x0;
	v4 =	vlaneseq.u32;
	[dreg:$0x8] =	wrdreg s30;
	s9 =	simm.s32 $0x100;
	s25 =	sadd.s32 $0x1600, s10  }
0x13: {  	v1 =	vimm.s32 $0x1;
	vm0 =	vmmov $0xffff;
	v3 =	vshrl.u32 v4, $0x3;
	s28 =	sadd.s32 $0x1000, s4;
	s5 =	smax.u32 s5, $0x1;
	[dreg:$0x5] =	wrdreg s25  }
0x14: {  	v2 =	vand.u32 $0x7, v4;
	v4 =	vor.u32 $0x8, v4;
	v3 =	vmul.u32 $0x8, v3;
	s10 =	simm.s32 $0x900;
	[dreg:$0x7] =	wrdreg s28;
	s25 =	simm.s32 $0x1  }
.LBB2_1:
0x15: {  	s26 =	rddreg [dreg:$0x5]  }
0x16: {  	[tilespmem:s3], [sflag:$0x2] =	stream.linear.gather [hbm4b:s26+s3], $0x100, $0x38;
	[tilespmem:$0x8580] =	vst v63  }
0x17: {  	_ =	swait.ge [sflag:s6], $0x100  }
0x18: {  	[sflag:s6] =	ssyncset.done $0x0  }
0x19: {  	[sflag:s6] =	ssyncadd.s32 $0xFFFFFF00  }
0x1a: {  	[tilespmem:$0x8100] =	vst v0  }
0x1b: {  	[tilespmem:$0x8110] =	vst v0  }
0x1c: {  	[tilespmem:$0x8120] =	vst v0  }
0x1d: {  	[tilespmem:$0x8130] =	vst v0  }
0x1e: {  	[tilespmem:$0x8140] =	vst v0  }
0x1f: {  	[tilespmem:$0x8150] =	vst v0  }
0x20: {  	[tilespmem:$0x8160] =	vst v0  }
0x21: {  	[tilespmem:$0x8170] =	vst v0  }
0x22: {  	[tilespmem:$0x8180] =	vst v0  }
0x23: {  	[tilespmem:$0x8190] =	vst v0  }
0x24: {  	[tilespmem:$0x81A0] =	vst v0  }
0x25: {  	[tilespmem:$0x81B0] =	vst v0  }
0x26: {  	[tilespmem:$0x81C0] =	vst v0  }
0x27: {  	[tilespmem:$0x81D0] =	vst v0  }
0x28: {  	[tilespmem:$0x81E0] =	vst v0  }
0x29: {  	[tilespmem:$0x81F0] =	vst v0  }
0x2a: {  	[tilespmem:$0x8200] =	vst v0  }
0x2b: {  	[tilespmem:$0x8210] =	vst v0  }
0x2c: {  	[tilespmem:$0x8220] =	vst v0  }
0x2d: {  	[tilespmem:$0x8230] =	vst v0  }
0x2e: {  	[tilespmem:$0x8240] =	vst v0  }
0x2f: {  	[tilespmem:$0x8250] =	vst v0  }
0x30: {  	[tilespmem:$0x8260] =	vst v0  }
0x31: {  	[tilespmem:$0x8270] =	vst v0  }
0x32: {  	[tilespmem:$0x8280] =	vst v0  }
0x33: {  	[tilespmem:$0x8290] =	vst v0  }
0x34: {  	[tilespmem:$0x82A0] =	vst v0  }
0x35: {  	[tilespmem:$0x82B0] =	vst v0  }
0x36: {  	[tilespmem:$0x82C0] =	vst v0  }
0x37: {  	[tilespmem:$0x82D0] =	vst v0  }
0x38: {  	[tilespmem:$0x82E0] =	vst v0  }
0x39: {  	[tilespmem:$0x82F0] =	vst v0  }
0x3a: {  	[tilespmem:$0x8300] =	vst v1  }
0x3b: {  	[tilespmem:$0x8310] =	vst v1  }
0x3c: {  	[tilespmem:$0x8320] =	vst v1  }
0x3d: {  	[tilespmem:$0x8330] =	vst v1  }
0x3e: {  	[tilespmem:$0x8340] =	vst v1  }
0x3f: {  	[tilespmem:$0x8350] =	vst v1  }
0x40: {  	s30 =	rddreg [dreg:$0x6];
	[tilespmem:$0x8360] =	vst v1  }
0x41: {  	s28 =	rddreg [dreg:$0x9];
	[tilespmem:$0x8370] =	vst v1  }
0x42: {  	[spmem:s30] =	stream.linear.scatter [tilespmem:s28], [sflag:$0x2], $0x200, $0x38;
	[tilespmem:$0x8580] =	vst v63  }
0x43: {  	_ =	swait.ge [sflag:s6], $0x200  }
0x44: {  	[sflag:s6] =	ssyncset.done $0x0  }
0x45: {  	[sflag:s6] =	ssyncadd.s32 $0xFFFFFE00  }
0x46: {  	[bflag:$0x0] =	sbarrier.arrive $0xFFFF  }
0x47: {  	[spmem:s2] =	stream.indirect.scatter.add.s32 [tilespmem:s8], [sflag:$0x2], $0x1, s3, s7, $0xb8;
	[tilespmem:$0x8580] =	vst v63  }
0x48: {  	_ =	swait.ge [sflag:s6], $0x80  }
0x49: {  	[sflag:s6] =	ssyncset.done $0x0  }
0x4a: {  	[sflag:s6] =	ssyncadd.s32 $0xFFFFFF80  }
0x4b: {  	v5 =	vld [tilespmem:$0x0];
	_ =	sdelay $0x4  }
0x4c: {  	v6 =	vshll.u32 v5, $0x1  }
0x4d: {  	v5 =	vand.u32 $0x7, v5;
	v6 =	vand.u32 $0xFFFFFFF0, v6  }
0x4e: {  	v5 =	vor.u32 v5, v6  }
0x4f: {  	v6 =	vperm.xlane v5, v2;
	_ =	sdelay $0x1  }
0x50: {  	v5 =	vperm.xlane v5, v4;
	v6 =	vadd.s32 v3, v6;
	_ =	sdelay $0x1  }
0x51: {  	v5 =	vadd.s32 v3, v5;
	_ =	sdelay $0x2  }
0x52: {  	[tilespmem:s9], [sflag:$0x1] =	stream.indirect_vreg.gather [hbm4b:s0+s3], $0x80, v6, vm0, $0xb8;
	[tilespmem:$0x8580] =	vst v63  }
0x53: {  	_ = 	snop  }
0x54: {  	[tilespmem:s10], [sflag:$0x1] =	stream.indirect_vreg.gather [hbm4b:s0+s3], $0x80, v5, vm0, $0xb8;
	[tilespmem:$0x8580] =	vst v63  }
0x55: {  	v5 =	vld [tilespmem:$0x10];
	_ =	sdelay $0x4  }
0x56: {  	v6 =	vshll.u32 v5, $0x1  }
0x57: {  	v5 =	vand.u32 $0x7, v5;
	v6 =	vand.u32 $0xFFFFFFF0, v6  }
0x58: {  	v5 =	vor.u32 v5, v6  }
0x59: {  	v6 =	vperm.xlane v5, v2;
	_ =	sdelay $0x1  }
0x5a: {  	v5 =	vperm.xlane v5, v4;
	v6 =	vadd.s32 v3, v6;
	_ =	sdelay $0x1  }
0x5b: {  	v5 =	vadd.s32 v3, v5;
	_ =	sdelay $0x2  }
0x5c: {  	[tilespmem:s11], [sflag:$0x1] =	stream.indirect_vreg.gather [hbm4b:s0+s3], $0x80, v6, vm0, $0xb8;
	[tilespmem:$0x8580] =	vst v63  }
0x5d: {  	_ = 	snop  }
0x5e: {  	[tilespmem:s12], [sflag:$0x1] =	stream.indirect_vreg.gather [hbm4b:s0+s3], $0x80, v5, vm0, $0xb8;
	[tilespmem:$0x8580] =	vst v63  }
0x5f: {  	v5 =	vld [tilespmem:$0x20];
	_ =	sdelay $0x4  }
0x60: {  	v6 =	vshll.u32 v5, $0x1  }
0x61: {  	v5 =	vand.u32 $0x7, v5;
	v6 =	vand.u32 $0xFFFFFFF0, v6  }
0x62: {  	v5 =	vor.u32 v5, v6  }
0x63: {  	v6 =	vperm.xlane v5, v2;
	_ =	sdelay $0x1  }
0x64: {  	v5 =	vperm.xlane v5, v4;
	v6 =	vadd.s32 v3, v6;
	_ =	sdelay $0x1  }
0x65: {  	v5 =	vadd.s32 v3, v5;
	_ =	sdelay $0x2  }
0x66: {  	[tilespmem:s13], [sflag:$0x1] =	stream.indirect_vreg.gather [hbm4b:s0+s3], $0x80, v6, vm0, $0xb8;
	[tilespmem:$0x8580] =	vst v63  }
0x67: {  	_ = 	snop  }
0x68: {  	[tilespmem:s14], [sflag:$0x1] =	stream.indirect_vreg.gather [hbm4b:s0+s3], $0x80, v5, vm0, $0xb8;
	[tilespmem:$0x8580] =	vst v63  }
0x69: {  	v5 =	vld [tilespmem:$0x30];
	_ =	sdelay $0x4  }
0x6a: {  	v6 =	vshll.u32 v5, $0x1  }
0x6b: {  	v5 =	vand.u32 $0x7, v5;
	v6 =	vand.u32 $0xFFFFFFF0, v6  }
0x6c: {  	v5 =	vor.u32 v5, v6  }
0x6d: {  	v6 =	vperm.xlane v5, v2;
	_ =	sdelay $0x1  }
0x6e: {  	v5 =	vperm.xlane v5, v4;
	v6 =	vadd.s32 v3, v6;
	_ =	sdelay $0x1  }
0x6f: {  	v5 =	vadd.s32 v3, v5;
	_ =	sdelay $0x2  }
0x70: {  	[tilespmem:s15], [sflag:$0x1] =	stream.indirect_vreg.gather [hbm4b:s0+s3], $0x80, v6, vm0, $0xb8;
	[tilespmem:$0x8580] =	vst v63  }
0x71: {  	_ = 	snop  }
0x72: {  	[tilespmem:s16], [sflag:$0x1] =	stream.indirect_vreg.gather [hbm4b:s0+s3], $0x80, v5, vm0, $0xb8;
	[tilespmem:$0x8580] =	vst v63  }
0x73: {  	v5 =	vld [tilespmem:$0x40];
	_ =	sdelay $0x4  }
0x74: {  	v6 =	vshll.u32 v5, $0x1  }
0x75: {  	v5 =	vand.u32 $0x7, v5;
	v6 =	vand.u32 $0xFFFFFFF0, v6  }
0x76: {  	v5 =	vor.u32 v5, v6  }
0x77: {  	v6 =	vperm.xlane v5, v2;
	_ =	sdelay $0x1  }
0x78: {  	v5 =	vperm.xlane v5, v4;
	v6 =	vadd.s32 v3, v6;
	_ =	sdelay $0x1  }
0x79: {  	v5 =	vadd.s32 v3, v5;
	_ =	sdelay $0x2  }
0x7a: {  	[tilespmem:s17], [sflag:$0x1] =	stream.indirect_vreg.gather [hbm4b:s0+s3], $0x80, v6, vm0, $0xb8;
	[tilespmem:$0x8580] =	vst v63  }
0x7b: {  	_ = 	snop  }
0x7c: {  	[tilespmem:s18], [sflag:$0x1] =	stream.indirect_vreg.gather [hbm4b:s0+s3], $0x80, v5, vm0, $0xb8;
	[tilespmem:$0x8580] =	vst v63  }
0x7d: {  	v5 =	vld [tilespmem:$0x50];
	_ =	sdelay $0x4  }
0x7e: {  	v6 =	vshll.u32 v5, $0x1  }
0x7f: {  	v5 =	vand.u32 $0x7, v5;
	v6 =	vand.u32 $0xFFFFFFF0, v6  }
0x80: {  	v5 =	vor.u32 v5, v6  }
0x81: {  	v6 =	vperm.xlane v5, v2;
	_ =	sdelay $0x1  }
0x82: {  	v5 =	vperm.xlane v5, v4;
	v6 =	vadd.s32 v3, v6;
	_ =	sdelay $0x1  }
0x83: {  	v5 =	vadd.s32 v3, v5;
	_ =	sdelay $0x2  }
0x84: {  	[tilespmem:s19], [sflag:$0x1] =	stream.indirect_vreg.gather [hbm4b:s0+s3], $0x80, v6, vm0, $0xb8;
	[tilespmem:$0x8580] =	vst v63  }
0x85: {  	_ = 	snop  }
0x86: {  	[tilespmem:s20], [sflag:$0x1] =	stream.indirect_vreg.gather [hbm4b:s0+s3], $0x80, v5, vm0, $0xb8;
	[tilespmem:$0x8580] =	vst v63  }
0x87: {  	v5 =	vld [tilespmem:$0x60];
	_ =	sdelay $0x4  }
0x88: {  	v6 =	vshll.u32 v5, $0x1  }
0x89: {  	v5 =	vand.u32 $0x7, v5;
	v6 =	vand.u32 $0xFFFFFFF0, v6  }
0x8a: {  	v5 =	vor.u32 v5, v6  }
0x8b: {  	v6 =	vperm.xlane v5, v2;
	_ =	sdelay $0x1  }
0x8c: {  	v5 =	vperm.xlane v5, v4;
	v6 =	vadd.s32 v3, v6;
	_ =	sdelay $0x1  }
0x8d: {  	v5 =	vadd.s32 v3, v5;
	_ =	sdelay $0x2  }
0x8e: {  	[tilespmem:s21], [sflag:$0x1] =	stream.indirect_vreg.gather [hbm4b:s0+s3], $0x80, v6, vm0, $0xb8;
	[tilespmem:$0x8580] =	vst v63  }
0x8f: {  	_ = 	snop  }
0x90: {  	[tilespmem:s22], [sflag:$0x1] =	stream.indirect_vreg.gather [hbm4b:s0+s3], $0x80, v5, vm0, $0xb8;
	[tilespmem:$0x8580] =	vst v63  }
0x91: {  	v5 =	vld [tilespmem:$0x70];
	_ =	sdelay $0x4  }
0x92: {  	v6 =	vshll.u32 v5, $0x1  }
0x93: {  	v5 =	vand.u32 $0x7, v5;
	v6 =	vand.u32 $0xFFFFFFF0, v6  }
0x94: {  	v5 =	vor.u32 v5, v6  }
0x95: {  	v6 =	vperm.xlane v5, v2;
	_ =	sdelay $0x1  }
0x96: {  	v5 =	vperm.xlane v5, v4;
	v6 =	vadd.s32 v3, v6;
	_ =	sdelay $0x1  }
0x97: {  	v5 =	vadd.s32 v3, v5;
	_ =	sdelay $0x2  }
0x98: {  	[tilespmem:s23], [sflag:$0x1] =	stream.indirect_vreg.gather [hbm4b:s0+s3], $0x80, v6, vm0, $0xb8;
	[tilespmem:$0x8580] =	vst v63  }
0x99: {  	_ = 	snop  }
0x9a: {  	[tilespmem:s24], [sflag:$0x1] =	stream.indirect_vreg.gather [hbm4b:s0+s3], $0x80, v5, vm0, $0xb8;
	[tilespmem:$0x8580] =	vst v63  }
0x9b: {  	_ =	swait.ge [sflag:s25], $0x8000  }
0x9c: {  	[sflag:s25] =	ssyncset.done $0x0  }
0x9d: {  	[sflag:s25] =	ssyncadd.s32 $0xFFFF8000  }
0x9e: {  	[hbm4b:s4+s3] =	stream.linear.scatter [tilespmem:s9], [sflag:$0x2], $0x8000, $0x38;
	[tilespmem:$0x8580] =	vst v63  }
0x9f: {  	_ =	swait.ge [sflag:s6], $0x8000  }
0xa0: {  	[sflag:s6] =	ssyncset.done $0x0  }
0xa1: {  	[sflag:s6] =	ssyncadd.s32 $0xFFFF8000  }
0xa2: {  	[spmem:s2] =	stream.indirect.scatter.add.s32 [tilespmem:s8], [sflag:$0x2], $0x1, s7, s7, $0xb8;
	[tilespmem:$0x8580] =	vst v63  }
0xa3: {  	_ =	swait.ge [sflag:s6], $0x80  }
0xa4: {  	[sflag:s6] =	ssyncset.done $0x0  }
0xa5: {  	[sflag:s6] =	ssyncadd.s32 $0xFFFFFF80  }
0xa6: {  	v5 =	vld [tilespmem:$0x80];
	_ =	sdelay $0x4  }
0xa7: {  	v6 =	vshll.u32 v5, $0x1  }
0xa8: {  	v5 =	vand.u32 $0x7, v5;
	v6 =	vand.u32 $0xFFFFFFF0, v6  }
0xa9: {  	v5 =	vor.u32 v5, v6  }
0xaa: {  	v6 =	vperm.xlane v5, v2;
	_ =	sdelay $0x1  }
0xab: {  	v5 =	vperm.xlane v5, v4;
	v6 =	vadd.s32 v3, v6;
	_ =	sdelay $0x1  }
0xac: {  	v5 =	vadd.s32 v3, v5;
	_ =	sdelay $0x2  }
0xad: {  	[tilespmem:s9], [sflag:$0x1] =	stream.indirect_vreg.gather [hbm4b:s0+s3], $0x80, v6, vm0, $0xb8;
	[tilespmem:$0x8580] =	vst v63  }
0xae: {  	_ = 	snop  }
0xaf: {  	[tilespmem:s10], [sflag:$0x1] =	stream.indirect_vreg.gather [hbm4b:s0+s3], $0x80, v5, vm0, $0xb8;
	[tilespmem:$0x8580] =	vst v63  }
0xb0: {  	v5 =	vld [tilespmem:$0x90];
	_ =	sdelay $0x4  }
0xb1: {  	v6 =	vshll.u32 v5, $0x1  }
0xb2: {  	v5 =	vand.u32 $0x7, v5;
	v6 =	vand.u32 $0xFFFFFFF0, v6  }
0xb3: {  	v5 =	vor.u32 v5, v6  }
0xb4: {  	v6 =	vperm.xlane v5, v2;
	_ =	sdelay $0x1  }
0xb5: {  	v5 =	vperm.xlane v5, v4;
	v6 =	vadd.s32 v3, v6;
	_ =	sdelay $0x1  }
0xb6: {  	v5 =	vadd.s32 v3, v5;
	_ =	sdelay $0x2  }
0xb7: {  	[tilespmem:s11], [sflag:$0x1] =	stream.indirect_vreg.gather [hbm4b:s0+s3], $0x80, v6, vm0, $0xb8;
	[tilespmem:$0x8580] =	vst v63  }
0xb8: {  	_ = 	snop  }
0xb9: {  	[tilespmem:s12], [sflag:$0x1] =	stream.indirect_vreg.gather [hbm4b:s0+s3], $0x80, v5, vm0, $0xb8;
	[tilespmem:$0x8580] =	vst v63  }
0xba: {  	v5 =	vld [tilespmem:$0xA0];
	_ =	sdelay $0x4  }
0xbb: {  	v6 =	vshll.u32 v5, $0x1  }
0xbc: {  	v5 =	vand.u32 $0x7, v5;
	v6 =	vand.u32 $0xFFFFFFF0, v6  }
0xbd: {  	v5 =	vor.u32 v5, v6  }
0xbe: {  	v6 =	vperm.xlane v5, v2;
	_ =	sdelay $0x1  }
0xbf: {  	v5 =	vperm.xlane v5, v4;
	v6 =	vadd.s32 v3, v6;
	_ =	sdelay $0x1  }
0xc0: {  	v5 =	vadd.s32 v3, v5;
	_ =	sdelay $0x2  }
0xc1: {  	[tilespmem:s13], [sflag:$0x1] =	stream.indirect_vreg.gather [hbm4b:s0+s3], $0x80, v6, vm0, $0xb8;
	[tilespmem:$0x8580] =	vst v63  }
0xc2: {  	_ = 	snop  }
0xc3: {  	[tilespmem:s14], [sflag:$0x1] =	stream.indirect_vreg.gather [hbm4b:s0+s3], $0x80, v5, vm0, $0xb8;
	[tilespmem:$0x8580] =	vst v63  }
0xc4: {  	v5 =	vld [tilespmem:$0xB0];
	_ =	sdelay $0x4  }
0xc5: {  	v6 =	vshll.u32 v5, $0x1  }
0xc6: {  	v5 =	vand.u32 $0x7, v5;
	v6 =	vand.u32 $0xFFFFFFF0, v6  }
0xc7: {  	v5 =	vor.u32 v5, v6  }
0xc8: {  	v6 =	vperm.xlane v5, v2;
	_ =	sdelay $0x1  }
0xc9: {  	v5 =	vperm.xlane v5, v4;
	v6 =	vadd.s32 v3, v6;
	_ =	sdelay $0x1  }
0xca: {  	v5 =	vadd.s32 v3, v5;
	_ =	sdelay $0x2  }
0xcb: {  	[tilespmem:s15], [sflag:$0x1] =	stream.indirect_vreg.gather [hbm4b:s0+s3], $0x80, v6, vm0, $0xb8;
	[tilespmem:$0x8580] =	vst v63  }
0xcc: {  	_ = 	snop  }
0xcd: {  	[tilespmem:s16], [sflag:$0x1] =	stream.indirect_vreg.gather [hbm4b:s0+s3], $0x80, v5, vm0, $0xb8;
	[tilespmem:$0x8580] =	vst v63  }
0xce: {  	v5 =	vld [tilespmem:$0xC0];
	_ =	sdelay $0x4  }
0xcf: {  	v6 =	vshll.u32 v5, $0x1  }
0xd0: {  	v5 =	vand.u32 $0x7, v5;
	v6 =	vand.u32 $0xFFFFFFF0, v6  }
0xd1: {  	v5 =	vor.u32 v5, v6  }
0xd2: {  	v6 =	vperm.xlane v5, v2;
	_ =	sdelay $0x1  }
0xd3: {  	v5 =	vperm.xlane v5, v4;
	v6 =	vadd.s32 v3, v6;
	_ =	sdelay $0x1  }
0xd4: {  	v5 =	vadd.s32 v3, v5;
	_ =	sdelay $0x2  }
0xd5: {  	[tilespmem:s17], [sflag:$0x1] =	stream.indirect_vreg.gather [hbm4b:s0+s3], $0x80, v6, vm0, $0xb8;
	[tilespmem:$0x8580] =	vst v63  }
0xd6: {  	_ = 	snop  }
0xd7: {  	[tilespmem:s18], [sflag:$0x1] =	stream.indirect_vreg.gather [hbm4b:s0+s3], $0x80, v5, vm0, $0xb8;
	[tilespmem:$0x8580] =	vst v63  }
0xd8: {  	v5 =	vld [tilespmem:$0xD0];
	_ =	sdelay $0x4  }
0xd9: {  	v6 =	vshll.u32 v5, $0x1  }
0xda: {  	v5 =	vand.u32 $0x7, v5;
	v6 =	vand.u32 $0xFFFFFFF0, v6  }
0xdb: {  	v5 =	vor.u32 v5, v6  }
0xdc: {  	v6 =	vperm.xlane v5, v2;
	_ =	sdelay $0x1  }
0xdd: {  	v5 =	vperm.xlane v5, v4;
	v6 =	vadd.s32 v3, v6;
	_ =	sdelay $0x1  }
0xde: {  	v5 =	vadd.s32 v3, v5;
	_ =	sdelay $0x2  }
0xdf: {  	[tilespmem:s19], [sflag:$0x1] =	stream.indirect_vreg.gather [hbm4b:s0+s3], $0x80, v6, vm0, $0xb8;
	[tilespmem:$0x8580] =	vst v63  }
0xe0: {  	_ = 	snop  }
0xe1: {  	[tilespmem:s20], [sflag:$0x1] =	stream.indirect_vreg.gather [hbm4b:s0+s3], $0x80, v5, vm0, $0xb8;
	[tilespmem:$0x8580] =	vst v63  }
0xe2: {  	v5 =	vld [tilespmem:$0xE0];
	_ =	sdelay $0x4  }
0xe3: {  	v6 =	vshll.u32 v5, $0x1  }
0xe4: {  	v5 =	vand.u32 $0x7, v5;
	v6 =	vand.u32 $0xFFFFFFF0, v6  }
0xe5: {  	v5 =	vor.u32 v5, v6  }
0xe6: {  	v6 =	vperm.xlane v5, v2;
	_ =	sdelay $0x1  }
0xe7: {  	v5 =	vperm.xlane v5, v4;
	v6 =	vadd.s32 v3, v6;
	_ =	sdelay $0x1  }
0xe8: {  	v5 =	vadd.s32 v3, v5;
	_ =	sdelay $0x2  }
0xe9: {  	[tilespmem:s21], [sflag:$0x1] =	stream.indirect_vreg.gather [hbm4b:s0+s3], $0x80, v6, vm0, $0xb8;
	[tilespmem:$0x8580] =	vst v63  }
0xea: {  	_ = 	snop  }
0xeb: {  	[tilespmem:s22], [sflag:$0x1] =	stream.indirect_vreg.gather [hbm4b:s0+s3], $0x80, v5, vm0, $0xb8;
	[tilespmem:$0x8580] =	vst v63  }
0xec: {  	v5 =	vld [tilespmem:$0xF0];
	_ =	sdelay $0x4  }
0xed: {  	v6 =	vshll.u32 v5, $0x1  }
0xee: {  	v5 =	vand.u32 $0x7, v5;
	v6 =	vand.u32 $0xFFFFFFF0, v6  }
0xef: {  	v5 =	vor.u32 v5, v6  }
0xf0: {  	v6 =	vperm.xlane v5, v2;
	_ =	sdelay $0x1  }
0xf1: {  	v5 =	vperm.xlane v5, v4;
	v6 =	vadd.s32 v3, v6;
	_ =	sdelay $0x1  }
0xf2: {  	v5 =	vadd.s32 v3, v5;
	_ =	sdelay $0x2  }
0xf3: {  	[tilespmem:s23], [sflag:$0x1] =	stream.indirect_vreg.gather [hbm4b:s0+s3], $0x80, v6, vm0, $0xb8;
	[tilespmem:$0x8580] =	vst v63  }
0xf4: {  	_ = 	snop  }
0xf5: {  	[tilespmem:s24], [sflag:$0x1] =	stream.indirect_vreg.gather [hbm4b:s0+s3], $0x80, v5, vm0, $0xb8;
	[tilespmem:$0x8580] =	vst v63  }
0xf6: {  	_ =	swait.ge [sflag:s25], $0x8000  }
0xf7: {  	[sflag:s25] =	ssyncset.done $0x0  }
0xf8: {  	s31 =	rddreg [dreg:$0x7];
	[sflag:s25] =	ssyncadd.s32 $0xFFFF8000  }
0xf9: {  	[hbm4b:s31+s3] =	stream.linear.scatter [tilespmem:s9], [sflag:$0x2], $0x8000, $0x38;
	[tilespmem:$0x8580] =	vst v63  }
0xfa: {  	_ =	swait.ge [sflag:s6], $0x8000  }
0xfb: {  	s29 =	simm.s32 @!p0 $0x1;
	[sflag:s6] =	ssyncset.done $0x0  }
0xfc: {  	s1 =	simm.s32 @!p0 $0x1C02;
	s5 =	sadd.s32 $0xFFFFFFFF, s5;
	[sflag:s6] =	ssyncadd.s32 $0xFFFF8000  }
0xfd: {  	p1 =	sne.s32 s5, $0x0;
	s28 =	sshrl.u32 @!p0 s2, $0x3;
	[bflag:$0x0] =	sbarrier.arrive $0xFFFF  }
0xfe: {  	s30 =	simm.s32 @!p0 $0x20;
	s31 =	simm.s32 @!p0 $0x10;
	s26 =	rddreg [dreg:$0x8]  }
0xff: {  	[hbm:s26@s30], [sflag:s1] =	dma.strided @!p0 [spmem:s28@s31], $0x400, s29, $0x10   }
.Ltmp0:
0x100: {  	_ = 	snop;
	(pc) =	sbr.rel @p1 .LBB2_1-.Ltmp0, $4  }
0x101: {  	s1 =	simm.s32 @!p0 $0x2  }
0x102: {  	_ =	swait.ge @!p0 [sflag:s1], $0x400  }
0x103: {  	[sflag:s1] =	ssyncset.done @!p0 $0x0  }
0x104: {  	[sflag:s1] =	ssyncadd.s32 @!p0 $0xFFFFFC00  }
0x105: {  	_ =	sfence.sel $0x180000  }
0x106: {  	[bflag:$0x0] =	sbarrier.arrive $0xFFFF  }
0x107: {  	_ =	strace $0x90000047  }
0x108: {  	[bflag:$0x2] =	sbarrier.arrive $0xFFFF  }
0x109: {  	s0 =	rddreg [dreg:$0x4]  }
0x10a: {  	s0 =	sadd.s32 @!p0 $0x100000, s0  }
0x10b: {  	[sflag:s0] =	ssyncadd.tile.s32 @!p0 $0x1;
	_ =	shalt  }
.Lfunc_end2:
_tile_overlayer_lowered:
.L_overlay_start_2:
0x10c: {  	(tag) =	ssettag $0x2  }
0x10d: {  	s0 =	rddreg [dreg:$0x0];
	s2 =	stileid.u32  }
0x10e: {  	s1 =	rddreg [dreg:$0x1];
	p0 =	sne.s32 s2, $0x0  }
0x10f: {  	s3 =	rddreg [dreg:$0x2];
	[bflag:$0x3] =	sbarrier.arrive $0xFFFF;
	s2 =	simm.s32 @!p0 $0x1C02  }
0x110: {  	[timem:s3], [sflag:s2] =	dma.local @!p0 [hbm:s0], s1  }
0x111: {  	s0 =	simm.s32 @!p0 $0x2  }
0x112: {  	_ =	swait.ge @!p0 [sflag:s0], s1  }
0x113: {  	s1 =	ssub.s32 @!p0 $0x0, s1;
	[sflag:s0] =	ssyncset.done @!p0 $0x0  }
0x114: {  	[sflag:s0] =	ssyncadd.s32 @!p0 s1  }
0x115: {  	[bflag:$0x3] =	sbarrier.arrive $0xFFFF  }
0x116: {  	_ =	shalt  }

</sc_bundles>
